<compile_context>
chip_gen: v7x
topology: tpu7x:2x2x1
jax: 0.10.2.dev20260603
libtpu: 0.0.44.dev20260713+nightly
codegen_flags: <defaults>
</compile_context>

<pallas_src>
import functools

import jax
import jax.numpy as jnp
from jax import lax
from jax.experimental import pallas as pl
from jax.experimental.pallas import tpu as pltpu
from jax.experimental.pallas import tpu_sc as plsc

_VOCAB = 1000000
_EMBED_DIM = 64
_SCALE = 8.0

_NW = 32
_BLK = 256
_NFULL = _VOCAB // _BLK
_BLK_IT = _NFULL // _NW + 1
_CHUNK = 128
_GBUF = 2


def _prep_body(tab_hbm, rem_hbm, out_hbm, bufin, bufout, rsems, wsems,
               *, nc):
  wid = lax.axis_index("s") * nc + lax.axis_index("c")

  def repack_block(bi, rows):
    @plsc.parallel_loop(0, rows, unroll=8)
    def _row(r):
      r2 = lax.shift_right_logical(r, 1)
      half = (r & 1) * _EMBED_DIM
      for k in range(_EMBED_DIM // 16):
        bufout[bi][r2, pl.ds(half + k * 16, 16)] = (
            bufin[bi][r, pl.ds(k * 16, 16)] * _SCALE)

  def blk_of(i):
    return wid + _NW * i

  for b in range(2):
    @pl.when(blk_of(b) < _NFULL)
    def _():
      off = pl.multiple_of(blk_of(b) * _BLK, _BLK)
      pltpu.async_copy(tab_hbm.at[pl.ds(off, _BLK), :], bufin[b], rsems[b])

  @pl.loop(0, _BLK_IT)
  def _blocks(i):
    b = lax.rem(i, 2)
    for bi in range(2):
      @pl.when((b == bi) & (blk_of(i) < _NFULL))
      def _():
        blk = blk_of(i)
        off = pl.multiple_of(blk * _BLK, _BLK)
        pltpu.make_async_copy(tab_hbm.at[pl.ds(off, _BLK), :], bufin[bi],
                              rsems[bi]).wait()

        @pl.when(i >= 2)
        def _():
          pltpu.make_async_copy(
              bufout[bi],
              out_hbm.at[pl.ds(0, _BLK // 2)], wsems[bi]).wait()

        repack_block(bi, _BLK)

        @pl.when(blk_of(i + 2) < _NFULL)
        def _():
          off2 = pl.multiple_of(blk_of(i + 2) * _BLK, _BLK)
          pltpu.async_copy(tab_hbm.at[pl.ds(off2, _BLK), :], bufin[bi],
                           rsems[bi])

        orow = pl.multiple_of(blk * (_BLK // 2), 8)
        pltpu.async_copy(bufout[bi],
                         out_hbm.at[pl.ds(orow, _BLK // 2)], wsems[bi])

  for bi in range(2):
    i_last = _BLK_IT - 1 if (_BLK_IT - 1) % 2 == bi else _BLK_IT - 2
    @pl.when(blk_of(i_last) < _NFULL)
    def _():
      pltpu.make_async_copy(bufout[bi],
                            out_hbm.at[pl.ds(0, _BLK // 2)],
                            wsems[bi]).wait()

  @pl.when(wid == 0)
  def _():
    pltpu.sync_copy(rem_hbm, bufout[0].at[pl.ds(0, 32), :])

    @pl.loop(0, 32)
    def _rem(r):
      for k in range(2 * _EMBED_DIM // 16):
        bufout[0][r, pl.ds(k * 16, 16)] = (
            bufout[0][r, pl.ds(k * 16, 16)] * _SCALE)

    pltpu.sync_copy(bufout[0].at[pl.ds(0, 32), :],
                    out_hbm.at[pl.ds(_NFULL * (_BLK // 2), 32)])


def _gather_body(tab_hbm, idx_hbm, out_hbm, idx_v, rows_v, gsems, wsems,
                 *, b_per_w, nc):
  wid = lax.axis_index("s") * nc + lax.axis_index("c")
  base = wid * b_per_w
  n_chunks = b_per_w // _CHUNK

  pltpu.sync_copy(idx_hbm.at[pl.ds(wid * n_chunks, n_chunks)], idx_v)

  def idx_slice(c):
    return idx_v.at[c]

  for b in range(_GBUF):
    pltpu.async_copy(tab_hbm.at[idx_slice(b)], rows_v[b], gsems[b])

  @pl.loop(0, n_chunks // _GBUF)
  def _pipeline(i):
    for b in range(_GBUF):
      c = i * _GBUF + b
      pltpu.make_async_copy(tab_hbm.at[idx_slice(c)], rows_v[b],
                            gsems[b]).wait()
      dst = out_hbm.at[pl.ds(base + c * _CHUNK, _CHUNK),
                       pl.ds(0, _EMBED_DIM)]
      pltpu.async_copy(rows_v[b], dst, wsems[b])

      @pl.when(c + _GBUF < n_chunks)
      def _():
        pltpu.make_async_copy(rows_v[b], dst, wsems[b]).wait()
        pltpu.async_copy(tab_hbm.at[idx_slice(c + _GBUF)], rows_v[b],
                         gsems[b])

  for b in range(_GBUF):
    pltpu.make_async_copy(
        rows_v[b],
        out_hbm.at[pl.ds(base, _CHUNK), pl.ds(0, _EMBED_DIM)],
        wsems[b]).wait()


@jax.jit
def _embed(x_flat, table):
  info = plsc.get_sparse_core_info()
  nc, ns = info.num_cores, info.num_subcores
  assert nc * ns == _NW
  n = x_flat.shape[0]
  b_per_w = n // _NW

  mesh = plsc.VectorSubcoreMesh(
      core_axis_name="c", subcore_axis_name="s",
      num_cores=nc, num_subcores=ns)

  prep = pl.kernel(
      functools.partial(_prep_body, nc=nc),
      out_type=jax.ShapeDtypeStruct((_VOCAB // 2, 2 * _EMBED_DIM),
                                    jnp.float32),
      mesh=mesh,
      scratch_types=dict(
          bufin=[pltpu.VMEM((_BLK, _EMBED_DIM), jnp.float32)
                 for _ in range(2)],
          bufout=[pltpu.VMEM((_BLK // 2, 2 * _EMBED_DIM), jnp.float32)
                  for _ in range(2)],
          rsems=[pltpu.SemaphoreType.DMA for _ in range(2)],
          wsems=[pltpu.SemaphoreType.DMA for _ in range(2)],
      ),
      compiler_params=pltpu.CompilerParams(use_tc_tiling_on_sc=True,
                                           needs_layout_passes=False),
  )
  rem2 = table[_NFULL * _BLK:].reshape(32, 2 * _EMBED_DIM)
  scaled2 = prep(table, rem2)
  scaled = scaled2.reshape(_VOCAB, _EMBED_DIM)

  gather = pl.kernel(
      functools.partial(_gather_body, b_per_w=b_per_w, nc=nc),
      out_type=jax.ShapeDtypeStruct((n, 2 * _EMBED_DIM), jnp.float32),
      mesh=mesh,
      scratch_types=dict(
          idx_v=pltpu.VMEM((b_per_w // _CHUNK, _CHUNK), jnp.int32),
          rows_v=[pltpu.VMEM((_CHUNK, _EMBED_DIM), jnp.float32)
                  for _ in range(_GBUF)],
          gsems=[pltpu.SemaphoreType.DMA for _ in range(_GBUF)],
          wsems=[pltpu.SemaphoreType.DMA for _ in range(_GBUF)],
      ),
      compiler_params=pltpu.CompilerParams(use_tc_tiling_on_sc=False,
                                           needs_layout_passes=False),
  )
  return gather(scaled, x_flat.reshape(-1, _CHUNK))


def kernel(x, table):
  batch, hist = x.shape
  out128 = _embed(x.reshape(-1).astype(jnp.int32), table)
  return out128.reshape(batch, hist, 2 * _EMBED_DIM)[:, :, :_EMBED_DIM]

# --- scband reference (transcript-rebuilt; emitter-appended) ---
"""Pipeline reference for scband-embedding-22436909154579 (READ-ONLY COPY).

The authoritative reference and input builder live on the scoring server;
editing this copy changes nothing except your own understanding.
"""

import jax, jax.numpy as jnp
import numpy as np
import math

VOCAB = 1000000
EMBED_DIM = 64
BATCH = 4096
HIST = 200

def setup_inputs(seed: int = 0) -> dict:
    key = jax.random.key(seed)
    k1, k2 = jax.random.split(key)
    x = jax.random.randint(k1, (BATCH, HIST), 0, VOCAB, dtype=jnp.int64 if jax.config.jax_enable_x64 else jnp.int32)
    table = jax.random.normal(k2, (VOCAB, EMBED_DIM), dtype=jnp.float32) * 0.02
    return {"x": x, "table": table}

def reference(x, table):
    # Embedding lookup followed by scale by sqrt(embed_dim), faithful to
    # `self.embed(x) * sqrt(self.embed_dim)`.
    out = jnp.take(table, x, axis=0) * math.sqrt(EMBED_DIM)
    return out

if __name__ == "__main__":
    import jax
    _d = setup_inputs()
    print(jax.jit(kernel)(*tuple(_d.values())))

</pallas_src>

<mosaic_0001>
#map = affine_map<(d0, d1) -> (0, 0)>
module attributes {stable_mosaic.version = 14 : i64} {
  func.func @_gather_body(%arg0: i32, %arg1: i32, %arg2: memref<1000000x64xf32, #tpu.memory_space<hbm>>, %arg3: memref<6400x128xi32, #tpu.memory_space<hbm>>, %arg4: memref<819200x128xf32, #tpu.memory_space<hbm>>, %arg5: memref<!tpu.dma_semaphore, #tpu.memory_space<semaphore_mem>>, %arg6: memref<!tpu.dma_semaphore, #tpu.memory_space<semaphore_mem>>, %arg7: memref<200x128xi32, #tpu.memory_space<vmem>>, %arg8: memref<128x64xf32, #tpu.memory_space<vmem>>, %arg9: memref<128x64xf32, #tpu.memory_space<vmem>>, %arg10: memref<!tpu.dma_semaphore, #tpu.memory_space<semaphore_mem>>, %arg11: memref<!tpu.dma_semaphore, #tpu.memory_space<semaphore_mem>>) attributes {dimension_semantics = [#tpu.dimension_semantics<core_parallel>, #tpu.dimension_semantics<subcore_parallel>], iteration_bounds = array<i64: 2, 16>, scalar_prefetch = 0 : i64, scratch_operands = 7 : i64, tpu.core_type = #tpu.core_type<sc_vector_subcore>, window_params = [{transform_indices = #map}, {transform_indices = #map}, {transform_indices = #map}]} {
    %mul3A = arith.constant 2 : i32
    %mul3A_0 = arith.muli %arg1, %mul3A : i32
    %add3A = arith.addi %mul3A_0, %arg0 : i32
    %mul3A_1 = arith.constant 25600 : i32
    %mul3A_2 = arith.muli %add3A, %mul3A_1 : i32
    %mul3A_3 = arith.constant 200 : i32
    %mul3A_4 = arith.muli %add3A, %mul3A_3 : i32
    "tpu.region"() ({
      %run_scoped3A = tpu.sem_alloc : memref<!tpu.dma_semaphore, #tpu.memory_space<semaphore_mem>>
      %dma_start3A_29 = arith.constant 0 : i32
      %dma_start3A_30 = tpu.memref_slice %arg3[%mul3A_4, %dma_start3A_29] : memref<6400x128xi32, #tpu.memory_space<hbm>> -> memref<200x128xi32, #tpu.memory_space<hbm>>
      %dma_start3A_31 = arith.constant 0 : i32
      %dma_start3A_32 = tpu.memref_slice %arg3[%mul3A_4, %dma_start3A_31] : memref<6400x128xi32, #tpu.memory_space<hbm>> -> memref<200x128xi32, #tpu.memory_space<hbm>>
      tpu.enqueue_dma source(%dma_start3A_32 : memref<200x128xi32, #tpu.memory_space<hbm>>) target(%arg7 : memref<200x128xi32, #tpu.memory_space<vmem>>) target_semaphore(%run_scoped3A : memref<!tpu.dma_semaphore, #tpu.memory_space<semaphore_mem>>)
      %dma_wait3A_33 = arith.constant 0 : i32
      %dma_wait3A_34 = tpu.memref_slice %arg3[%mul3A_4, %dma_wait3A_33] : memref<6400x128xi32, #tpu.memory_space<hbm>> -> memref<200x128xi32, #tpu.memory_space<hbm>>
      %dma_wait3A_35 = arith.constant 0 : i32
      %dma_wait3A_36 = tpu.memref_slice %arg3[%mul3A_4, %dma_wait3A_35] : memref<6400x128xi32, #tpu.memory_space<hbm>> -> memref<200x128xi32, #tpu.memory_space<hbm>>
      tpu.wait_dma2 semaphore(%run_scoped3A : memref<!tpu.dma_semaphore, #tpu.memory_space<semaphore_mem>>) src(%dma_wait3A_36 : memref<200x128xi32, #tpu.memory_space<hbm>>) dst(%arg7 : memref<200x128xi32, #tpu.memory_space<vmem>>)
      tpu.yield
    }) : () -> ()
    %dma_start3A = arith.constant 0 : i32
    %dma_start3A_5 = arith.constant 0 : i32
    %dma_start3A_6 = tpu.memref_slice %arg7[%dma_start3A, %dma_start3A_5] : memref<200x128xi32, #tpu.memory_space<vmem>> -> memref<1x128xi32, #tpu.memory_space<vmem>>
    %dma_start3A_7 = tpu.memref_squeeze %dma_start3A_6 : memref<1x128xi32, #tpu.memory_space<vmem>> -> memref<128xi32, #tpu.memory_space<vmem>>
    %dma_start3A_8 = arith.constant 0 : i32
    %dma_start3A_9 = arith.constant 0 : i32
    %dma_start3A_10 = tpu.memref_slice %arg2[%dma_start3A_8, %dma_start3A_9] : memref<1000000x64xf32, #tpu.memory_space<hbm>> -> memref<1000000x64xf32, #tpu.memory_space<hbm>>
    tpu.enqueue_indirect_dma source(%dma_start3A_10 : memref<1000000x64xf32, #tpu.memory_space<hbm>>) target(%arg8 : memref<128x64xf32, #tpu.memory_space<vmem>>) offsets(%dma_start3A_7 : memref<128xi32, #tpu.memory_space<vmem>>) semaphore(%arg5 : memref<!tpu.dma_semaphore, #tpu.memory_space<semaphore_mem>>)
    %dma_start3A_11 = arith.constant 1 : i32
    %dma_start3A_12 = arith.constant 0 : i32
    %dma_start3A_13 = tpu.memref_slice %arg7[%dma_start3A_11, %dma_start3A_12] : memref<200x128xi32, #tpu.memory_space<vmem>> -> memref<1x128xi32, #tpu.memory_space<vmem>>
    %dma_start3A_14 = tpu.memref_squeeze %dma_start3A_13 : memref<1x128xi32, #tpu.memory_space<vmem>> -> memref<128xi32, #tpu.memory_space<vmem>>
    %dma_start3A_15 = arith.constant 0 : i32
    %dma_start3A_16 = arith.constant 0 : i32
    %dma_start3A_17 = tpu.memref_slice %arg2[%dma_start3A_15, %dma_start3A_16] : memref<1000000x64xf32, #tpu.memory_space<hbm>> -> memref<1000000x64xf32, #tpu.memory_space<hbm>>
    tpu.enqueue_indirect_dma source(%dma_start3A_17 : memref<1000000x64xf32, #tpu.memory_space<hbm>>) target(%arg9 : memref<128x64xf32, #tpu.memory_space<vmem>>) offsets(%dma_start3A_14 : memref<128xi32, #tpu.memory_space<vmem>>) semaphore(%arg6 : memref<!tpu.dma_semaphore, #tpu.memory_space<semaphore_mem>>)
    %scan3A = arith.constant 0 : i32
    %scan3A_18 = arith.constant 100 : i32
    %scan3A_19 = arith.addi %scan3A, %scan3A_18 : i32
    %scan3A_20 = arith.constant 1 : i32
    scf.for %scan3A_29 = %scan3A to %scan3A_19 step %scan3A_20  : i32 {
      %mul3A_30 = arith.constant 1 : i32
      %mul3A_31 = arith.muli %scan3A_29, %mul3A_30 : i32
      %add3A_32 = arith.constant 0 : i32
      %add3A_33 = arith.addi %add3A_32, %mul3A_31 : i32
      %mul3A_34 = arith.constant 2 : i32
      %mul3A_35 = arith.muli %add3A_33, %mul3A_34 : i32
      %add3A_36 = arith.constant 0 : i32
      %add3A_37 = arith.addi %mul3A_35, %add3A_36 : i32
      %dma_wait3A_38 = arith.constant 0 : i32
      %dma_wait3A_39 = tpu.memref_slice %arg7[%add3A_37, %dma_wait3A_38] : memref<200x128xi32, #tpu.memory_space<vmem>> -> memref<1x128xi32, #tpu.memory_space<vmem>>
      %dma_wait3A_40 = tpu.memref_squeeze %dma_wait3A_39 : memref<1x128xi32, #tpu.memory_space<vmem>> -> memref<128xi32, #tpu.memory_space<vmem>>
      %dma_wait3A_41 = arith.constant 0 : i32
      %dma_wait3A_42 = arith.constant 0 : i32
      %dma_wait3A_43 = tpu.memref_slice %arg2[%dma_wait3A_41, %dma_wait3A_42] : memref<1000000x64xf32, #tpu.memory_space<hbm>> -> memref<1000000x64xf32, #tpu.memory_space<hbm>>
      tpu.wait_indirect_dma semaphore(%arg5 : memref<!tpu.dma_semaphore, #tpu.memory_space<semaphore_mem>>) src(%dma_wait3A_43 : memref<1000000x64xf32, #tpu.memory_space<hbm>>) dst(%arg8 : memref<128x64xf32, #tpu.memory_space<vmem>>)
      %mul3A_44 = arith.constant 128 : i32
      %mul3A_45 = arith.muli %add3A_37, %mul3A_44 : i32
      %add3A_46 = arith.addi %mul3A_2, %mul3A_45 : i32
      %dma_start3A_47 = arith.constant 0 : i32
      %dma_start3A_48 = tpu.memref_slice %arg4[%add3A_46, %dma_start3A_47] : memref<819200x128xf32, #tpu.memory_space<hbm>> -> memref<128x64xf32, #tpu.memory_space<hbm>>
      %dma_start3A_49 = arith.constant 0 : i32
      %dma_start3A_50 = tpu.memref_slice %arg4[%add3A_46, %dma_start3A_49] : memref<819200x128xf32, #tpu.memory_space<hbm>> -> memref<128x64xf32, #tpu.memory_space<hbm>>
      tpu.enqueue_dma source(%arg8 : memref<128x64xf32, #tpu.memory_space<vmem>>) target(%dma_start3A_50 : memref<128x64xf32, #tpu.memory_space<hbm>>) target_semaphore(%arg10 : memref<!tpu.dma_semaphore, #tpu.memory_space<semaphore_mem>>)
      %add3A_51 = arith.constant 2 : i32
      %add3A_52 = arith.addi %add3A_37, %add3A_51 : i32
      %lt3A = arith.constant 200 : i32
      %lt3A_53 = arith.cmpi slt, %add3A_52, %lt3A : i32
      %convert_element_type3A = arith.extui %lt3A_53 : i1 to i32
      %cond3A = arith.constant 0 : i32
      %cond3A_54 = arith.cmpi ne, %convert_element_type3A, %cond3A : i32
      scf.if %cond3A_54 {
        %dma_wait3A_79 = arith.constant 0 : i32
        %dma_wait3A_80 = tpu.memref_slice %arg4[%add3A_46, %dma_wait3A_79] : memref<819200x128xf32, #tpu.memory_space<hbm>> -> memref<128x64xf32, #tpu.memory_space<hbm>>
        %dma_wait3A_81 = arith.constant 0 : i32
        %dma_wait3A_82 = tpu.memref_slice %arg4[%add3A_46, %dma_wait3A_81] : memref<819200x128xf32, #tpu.memory_space<hbm>> -> memref<128x64xf32, #tpu.memory_space<hbm>>
        tpu.wait_dma2 semaphore(%arg10 : memref<!tpu.dma_semaphore, #tpu.memory_space<semaphore_mem>>) src(%arg8 : memref<128x64xf32, #tpu.memory_space<vmem>>) dst(%dma_wait3A_82 : memref<128x64xf32, #tpu.memory_space<hbm>>)
        %add3A_83 = arith.constant 2 : i32
        %add3A_84 = arith.addi %add3A_37, %add3A_83 : i32
        %dma_start3A_85 = arith.constant 0 : i32
        %dma_start3A_86 = tpu.memref_slice %arg7[%add3A_84, %dma_start3A_85] : memref<200x128xi32, #tpu.memory_space<vmem>> -> memref<1x128xi32, #tpu.memory_space<vmem>>
        %dma_start3A_87 = tpu.memref_squeeze %dma_start3A_86 : memref<1x128xi32, #tpu.memory_space<vmem>> -> memref<128xi32, #tpu.memory_space<vmem>>
        %dma_start3A_88 = arith.constant 0 : i32
        %dma_start3A_89 = arith.constant 0 : i32
        %dma_start3A_90 = tpu.memref_slice %arg2[%dma_start3A_88, %dma_start3A_89] : memref<1000000x64xf32, #tpu.memory_space<hbm>> -> memref<1000000x64xf32, #tpu.memory_space<hbm>>
        tpu.enqueue_indirect_dma source(%dma_start3A_90 : memref<1000000x64xf32, #tpu.memory_space<hbm>>) target(%arg8 : memref<128x64xf32, #tpu.memory_space<vmem>>) offsets(%dma_start3A_87 : memref<128xi32, #tpu.memory_space<vmem>>) semaphore(%arg5 : memref<!tpu.dma_semaphore, #tpu.memory_space<semaphore_mem>>)
      } else {
      }
      %mul3A_55 = arith.constant 2 : i32
      %mul3A_56 = arith.muli %add3A_33, %mul3A_55 : i32
      %add3A_57 = arith.constant 1 : i32
      %add3A_58 = arith.addi %mul3A_56, %add3A_57 : i32
      %dma_wait3A_59 = arith.constant 0 : i32
      %dma_wait3A_60 = tpu.memref_slice %arg7[%add3A_58, %dma_wait3A_59] : memref<200x128xi32, #tpu.memory_space<vmem>> -> memref<1x128xi32, #tpu.memory_space<vmem>>
      %dma_wait3A_61 = tpu.memref_squeeze %dma_wait3A_60 : memref<1x128xi32, #tpu.memory_space<vmem>> -> memref<128xi32, #tpu.memory_space<vmem>>
      %dma_wait3A_62 = arith.constant 0 : i32
      %dma_wait3A_63 = arith.constant 0 : i32
      %dma_wait3A_64 = tpu.memref_slice %arg2[%dma_wait3A_62, %dma_wait3A_63] : memref<1000000x64xf32, #tpu.memory_space<hbm>> -> memref<1000000x64xf32, #tpu.memory_space<hbm>>
      tpu.wait_indirect_dma semaphore(%arg6 : memref<!tpu.dma_semaphore, #tpu.memory_space<semaphore_mem>>) src(%dma_wait3A_64 : memref<1000000x64xf32, #tpu.memory_space<hbm>>) dst(%arg9 : memref<128x64xf32, #tpu.memory_space<vmem>>)
      %mul3A_65 = arith.constant 128 : i32
      %mul3A_66 = arith.muli %add3A_58, %mul3A_65 : i32
      %add3A_67 = arith.addi %mul3A_2, %mul3A_66 : i32
      %dma_start3A_68 = arith.constant 0 : i32
      %dma_start3A_69 = tpu.memref_slice %arg4[%add3A_67, %dma_start3A_68] : memref<819200x128xf32, #tpu.memory_space<hbm>> -> memref<128x64xf32, #tpu.memory_space<hbm>>
      %dma_start3A_70 = arith.constant 0 : i32
      %dma_start3A_71 = tpu.memref_slice %arg4[%add3A_67, %dma_start3A_70] : memref<819200x128xf32, #tpu.memory_space<hbm>> -> memref<128x64xf32, #tpu.memory_space<hbm>>
      tpu.enqueue_dma source(%arg9 : memref<128x64xf32, #tpu.memory_space<vmem>>) target(%dma_start3A_71 : memref<128x64xf32, #tpu.memory_space<hbm>>) target_semaphore(%arg11 : memref<!tpu.dma_semaphore, #tpu.memory_space<semaphore_mem>>)
      %add3A_72 = arith.constant 2 : i32
      %add3A_73 = arith.addi %add3A_58, %add3A_72 : i32
      %lt3A_74 = arith.constant 200 : i32
      %lt3A_75 = arith.cmpi slt, %add3A_73, %lt3A_74 : i32
      %convert_element_type3A_76 = arith.extui %lt3A_75 : i1 to i32
      %cond3A_77 = arith.constant 0 : i32
      %cond3A_78 = arith.cmpi ne, %convert_element_type3A_76, %cond3A_77 : i32
      scf.if %cond3A_78 {
        %dma_wait3A_79 = arith.constant 0 : i32
        %dma_wait3A_80 = tpu.memref_slice %arg4[%add3A_67, %dma_wait3A_79] : memref<819200x128xf32, #tpu.memory_space<hbm>> -> memref<128x64xf32, #tpu.memory_space<hbm>>
        %dma_wait3A_81 = arith.constant 0 : i32
        %dma_wait3A_82 = tpu.memref_slice %arg4[%add3A_67, %dma_wait3A_81] : memref<819200x128xf32, #tpu.memory_space<hbm>> -> memref<128x64xf32, #tpu.memory_space<hbm>>
        tpu.wait_dma2 semaphore(%arg11 : memref<!tpu.dma_semaphore, #tpu.memory_space<semaphore_mem>>) src(%arg9 : memref<128x64xf32, #tpu.memory_space<vmem>>) dst(%dma_wait3A_82 : memref<128x64xf32, #tpu.memory_space<hbm>>)
        %add3A_83 = arith.constant 2 : i32
        %add3A_84 = arith.addi %add3A_58, %add3A_83 : i32
        %dma_start3A_85 = arith.constant 0 : i32
        %dma_start3A_86 = tpu.memref_slice %arg7[%add3A_84, %dma_start3A_85] : memref<200x128xi32, #tpu.memory_space<vmem>> -> memref<1x128xi32, #tpu.memory_space<vmem>>
        %dma_start3A_87 = tpu.memref_squeeze %dma_start3A_86 : memref<1x128xi32, #tpu.memory_space<vmem>> -> memref<128xi32, #tpu.memory_space<vmem>>
        %dma_start3A_88 = arith.constant 0 : i32
        %dma_start3A_89 = arith.constant 0 : i32
        %dma_start3A_90 = tpu.memref_slice %arg2[%dma_start3A_88, %dma_start3A_89] : memref<1000000x64xf32, #tpu.memory_space<hbm>> -> memref<1000000x64xf32, #tpu.memory_space<hbm>>
        tpu.enqueue_indirect_dma source(%dma_start3A_90 : memref<1000000x64xf32, #tpu.memory_space<hbm>>) target(%arg9 : memref<128x64xf32, #tpu.memory_space<vmem>>) offsets(%dma_start3A_87 : memref<128xi32, #tpu.memory_space<vmem>>) semaphore(%arg6 : memref<!tpu.dma_semaphore, #tpu.memory_space<semaphore_mem>>)
      } else {
      }
    }
    %scan3A_21 = arith.constant 100 : i32
    %dma_wait3A = arith.constant 0 : i32
    %dma_wait3A_22 = tpu.memref_slice %arg4[%mul3A_2, %dma_wait3A] : memref<819200x128xf32, #tpu.memory_space<hbm>> -> memref<128x64xf32, #tpu.memory_space<hbm>>
    %dma_wait3A_23 = arith.constant 0 : i32
    %dma_wait3A_24 = tpu.memref_slice %arg4[%mul3A_2, %dma_wait3A_23] : memref<819200x128xf32, #tpu.memory_space<hbm>> -> memref<128x64xf32, #tpu.memory_space<hbm>>
    tpu.wait_dma2 semaphore(%arg10 : memref<!tpu.dma_semaphore, #tpu.memory_space<semaphore_mem>>) src(%arg8 : memref<128x64xf32, #tpu.memory_space<vmem>>) dst(%dma_wait3A_24 : memref<128x64xf32, #tpu.memory_space<hbm>>)
    %dma_wait3A_25 = arith.constant 0 : i32
    %dma_wait3A_26 = tpu.memref_slice %arg4[%mul3A_2, %dma_wait3A_25] : memref<819200x128xf32, #tpu.memory_space<hbm>> -> memref<128x64xf32, #tpu.memory_space<hbm>>
    %dma_wait3A_27 = arith.constant 0 : i32
    %dma_wait3A_28 = tpu.memref_slice %arg4[%mul3A_2, %dma_wait3A_27] : memref<819200x128xf32, #tpu.memory_space<hbm>> -> memref<128x64xf32, #tpu.memory_space<hbm>>
    tpu.wait_dma2 semaphore(%arg11 : memref<!tpu.dma_semaphore, #tpu.memory_space<semaphore_mem>>) src(%arg9 : memref<128x64xf32, #tpu.memory_space<vmem>>) dst(%dma_wait3A_28 : memref<128x64xf32, #tpu.memory_space<hbm>>)
    return
  }
}

#map = affine_map<(d0, d1) -> (0, 0)>
module attributes {stable_mosaic.version = 14 : i64} {
  func.func @_prep_body(%arg0: i32, %arg1: i32, %arg2: memref<1000000x64xf32, #tpu.memory_space<hbm>>, %arg3: memref<32x128xf32, #tpu.memory_space<hbm>>, %arg4: memref<500000x128xf32, #tpu.memory_space<hbm>>, %arg5: memref<256x64xf32, #tpu.memory_space<vmem>>, %arg6: memref<256x64xf32, #tpu.memory_space<vmem>>, %arg7: memref<128x128xf32, #tpu.memory_space<vmem>>, %arg8: memref<128x128xf32, #tpu.memory_space<vmem>>, %arg9: memref<!tpu.dma_semaphore, #tpu.memory_space<semaphore_mem>>, %arg10: memref<!tpu.dma_semaphore, #tpu.memory_space<semaphore_mem>>, %arg11: memref<!tpu.dma_semaphore, #tpu.memory_space<semaphore_mem>>, %arg12: memref<!tpu.dma_semaphore, #tpu.memory_space<semaphore_mem>>) attributes {dimension_semantics = [#tpu.dimension_semantics<core_parallel>, #tpu.dimension_semantics<subcore_parallel>], iteration_bounds = array<i64: 2, 16>, scalar_prefetch = 0 : i64, scratch_operands = 8 : i64, tpu.core_type = #tpu.core_type<sc_vector_subcore>, window_params = [{transform_indices = #map}, {transform_indices = #map}, {transform_indices = #map}]} {
    %mul3A = arith.constant 2 : i32
    %mul3A_0 = arith.muli %arg1, %mul3A : i32
    %add3A = arith.addi %mul3A_0, %arg0 : i32
    %add3A_1 = arith.constant 0 : i32
    %add3A_2 = arith.addi %add3A, %add3A_1 : i32
    %lt3A = arith.constant 3906 : i32
    %lt3A_3 = arith.cmpi slt, %add3A_2, %lt3A : i32
    %convert_element_type3A = arith.extui %lt3A_3 : i1 to i32
    %cond3A = arith.constant 0 : i32
    %cond3A_4 = arith.cmpi ne, %convert_element_type3A, %cond3A : i32
    scf.if %cond3A_4 {
      %add3A_34 = arith.constant 0 : i32
      %add3A_35 = arith.addi %add3A, %add3A_34 : i32
      %mul3A_36 = arith.constant 256 : i32
      %mul3A_37 = arith.muli %add3A_35, %mul3A_36 : i32
      %multiple_of3A = tpu.assume_multiple %mul3A_37, 256 : i32
      %dma_start3A = arith.constant 0 : i32
      %dma_start3A_38 = tpu.memref_slice %arg2[%multiple_of3A, %dma_start3A] : memref<1000000x64xf32, #tpu.memory_space<hbm>> -> memref<256x64xf32, #tpu.memory_space<hbm>>
      %dma_start3A_39 = arith.constant 0 : i32
      %dma_start3A_40 = tpu.memref_slice %arg2[%multiple_of3A, %dma_start3A_39] : memref<1000000x64xf32, #tpu.memory_space<hbm>> -> memref<256x64xf32, #tpu.memory_space<hbm>>
      tpu.enqueue_dma source(%dma_start3A_40 : memref<256x64xf32, #tpu.memory_space<hbm>>) target(%arg5 : memref<256x64xf32, #tpu.memory_space<vmem>>) target_semaphore(%arg9 : memref<!tpu.dma_semaphore, #tpu.memory_space<semaphore_mem>>)
    } else {
    }
    %add3A_5 = arith.constant 32 : i32
    %add3A_6 = arith.addi %add3A, %add3A_5 : i32
    %lt3A_7 = arith.constant 3906 : i32
    %lt3A_8 = arith.cmpi slt, %add3A_6, %lt3A_7 : i32
    %convert_element_type3A_9 = arith.extui %lt3A_8 : i1 to i32
    %cond3A_10 = arith.constant 0 : i32
    %cond3A_11 = arith.cmpi ne, %convert_element_type3A_9, %cond3A_10 : i32
    scf.if %cond3A_11 {
      %add3A_34 = arith.constant 32 : i32
      %add3A_35 = arith.addi %add3A, %add3A_34 : i32
      %mul3A_36 = arith.constant 256 : i32
      %mul3A_37 = arith.muli %add3A_35, %mul3A_36 : i32
      %multiple_of3A = tpu.assume_multiple %mul3A_37, 256 : i32
      %dma_start3A = arith.constant 0 : i32
      %dma_start3A_38 = tpu.memref_slice %arg2[%multiple_of3A, %dma_start3A] : memref<1000000x64xf32, #tpu.memory_space<hbm>> -> memref<256x64xf32, #tpu.memory_space<hbm>>
      %dma_start3A_39 = arith.constant 0 : i32
      %dma_start3A_40 = tpu.memref_slice %arg2[%multiple_of3A, %dma_start3A_39] : memref<1000000x64xf32, #tpu.memory_space<hbm>> -> memref<256x64xf32, #tpu.memory_space<hbm>>
      tpu.enqueue_dma source(%dma_start3A_40 : memref<256x64xf32, #tpu.memory_space<hbm>>) target(%arg6 : memref<256x64xf32, #tpu.memory_space<vmem>>) target_semaphore(%arg10 : memref<!tpu.dma_semaphore, #tpu.memory_space<semaphore_mem>>)
    } else {
    }
    %scan3A = arith.constant 0 : i32
    %scan3A_12 = arith.constant 123 : i32
    %scan3A_13 = arith.addi %scan3A, %scan3A_12 : i32
    %scan3A_14 = arith.constant 1 : i32
    scf.for %scan3A_34 = %scan3A to %scan3A_13 step %scan3A_14  : i32 {
      %mul3A_35 = arith.constant 1 : i32
      %mul3A_36 = arith.muli %scan3A_34, %mul3A_35 : i32
      %add3A_37 = arith.constant 0 : i32
      %add3A_38 = arith.addi %add3A_37, %mul3A_36 : i32
      %rem3A = arith.constant 2 : i32
      %rem3A_39 = arith.remsi %add3A_38, %rem3A : i32
      %eq3A_40 = arith.constant 0 : i32
      %eq3A_41 = arith.cmpi eq, %rem3A_39, %eq3A_40 : i32
      %mul3A_42 = arith.constant 32 : i32
      %mul3A_43 = arith.muli %mul3A_42, %add3A_38 : i32
      %add3A_44 = arith.addi %add3A, %mul3A_43 : i32
      %lt3A_45 = arith.constant 3906 : i32
      %lt3A_46 = arith.cmpi slt, %add3A_44, %lt3A_45 : i32
      %and3A = arith.andi %eq3A_41, %lt3A_46 : i1
      %convert_element_type3A_47 = arith.extui %and3A : i1 to i32
      %cond3A_48 = arith.constant 0 : i32
      %cond3A_49 = arith.cmpi ne, %convert_element_type3A_47, %cond3A_48 : i32
      scf.if %cond3A_49 {
        %mul3A_61 = arith.constant 32 : i32
        %mul3A_62 = arith.muli %mul3A_61, %add3A_38 : i32
        %add3A_63 = arith.addi %add3A, %mul3A_62 : i32
        %mul3A_64 = arith.constant 256 : i32
        %mul3A_65 = arith.muli %add3A_63, %mul3A_64 : i32
        %multiple_of3A = tpu.assume_multiple %mul3A_65, 256 : i32
        %dma_wait3A = arith.constant 0 : i32
        %dma_wait3A_66 = tpu.memref_slice %arg2[%multiple_of3A, %dma_wait3A] : memref<1000000x64xf32, #tpu.memory_space<hbm>> -> memref<256x64xf32, #tpu.memory_space<hbm>>
        %dma_wait3A_67 = arith.constant 0 : i32
        %dma_wait3A_68 = tpu.memref_slice %arg2[%multiple_of3A, %dma_wait3A_67] : memref<1000000x64xf32, #tpu.memory_space<hbm>> -> memref<256x64xf32, #tpu.memory_space<hbm>>
        tpu.wait_dma2 semaphore(%arg9 : memref<!tpu.dma_semaphore, #tpu.memory_space<semaphore_mem>>) src(%dma_wait3A_68 : memref<256x64xf32, #tpu.memory_space<hbm>>) dst(%arg5 : memref<256x64xf32, #tpu.memory_space<vmem>>)
        %ge3A = arith.constant 2 : i32
        %ge3A_69 = arith.cmpi sge, %add3A_38, %ge3A : i32
        %convert_element_type3A_70 = arith.extui %ge3A_69 : i1 to i32
        %cond3A_71 = arith.constant 0 : i32
        %cond3A_72 = arith.cmpi ne, %convert_element_type3A_70, %cond3A_71 : i32
        scf.if %cond3A_72 {
          %dma_wait3A_91 = arith.constant 0 : i32
          %dma_wait3A_92 = arith.constant 0 : i32
          %dma_wait3A_93 = tpu.memref_slice %arg4[%dma_wait3A_91, %dma_wait3A_92] : memref<500000x128xf32, #tpu.memory_space<hbm>> -> memref<128x128xf32, #tpu.memory_space<hbm>>
          %dma_wait3A_94 = arith.constant 0 : i32
          %dma_wait3A_95 = arith.constant 0 : i32
          %dma_wait3A_96 = tpu.memref_slice %arg4[%dma_wait3A_94, %dma_wait3A_95] : memref<500000x128xf32, #tpu.memory_space<hbm>> -> memref<128x128xf32, #tpu.memory_space<hbm>>
          tpu.wait_dma2 semaphore(%arg11 : memref<!tpu.dma_semaphore, #tpu.memory_space<semaphore_mem>>) src(%arg7 : memref<128x128xf32, #tpu.memory_space<vmem>>) dst(%dma_wait3A_96 : memref<128x128xf32, #tpu.memory_space<hbm>>)
        } else {
        }
        %parallel_loop3A = arith.constant 0 : i32
        %parallel_loop3A_73 = arith.constant 256 : i32
        %parallel_loop3A_74 = arith.constant 1 : i32
        scf.for %parallel_loop3A_91 = %parallel_loop3A to %parallel_loop3A_73 step %parallel_loop3A_74  : i32 {
          %parallel_loop3A_92 = arith.constant 1 : i32
          %parallel_loop3A_93 = arith.shrui %parallel_loop3A_91, %parallel_loop3A_92 : i32
          %parallel_loop3A_94 = arith.constant 1 : i32
          %parallel_loop3A_95 = arith.andi %parallel_loop3A_91, %parallel_loop3A_94 : i32
          %parallel_loop3A_96 = arith.constant 64 : i32
          %parallel_loop3A_97 = arith.muli %parallel_loop3A_95, %parallel_loop3A_96 : i32
          %parallel_loop3A_98 = arith.index_cast %parallel_loop3A_91 : i32 to index
          %parallel_loop3A_99 = arith.constant 0 : index
          %parallel_loop3A_100 = tpu.vector_load %arg5[%parallel_loop3A_98, %parallel_loop3A_99] {strides = array<i32>} : memref<256x64xf32, #tpu.memory_space<vmem>>, vector<16xf32>,
          %parallel_loop3A_101 = arith.constant 8.000000e+00 : f32
          %parallel_loop3A_102 = vector.broadcast %parallel_loop3A_101 : f32 to vector<16xf32>
          %parallel_loop3A_103 = arith.mulf %parallel_loop3A_100, %parallel_loop3A_102 : vector<16xf32>
          %parallel_loop3A_104 = arith.constant 0 : i32
          %parallel_loop3A_105 = arith.addi %parallel_loop3A_97, %parallel_loop3A_104 : i32
          %parallel_loop3A_106 = arith.index_cast %parallel_loop3A_93 : i32 to index
          %parallel_loop3A_107 = arith.index_cast %parallel_loop3A_105 : i32 to index
          %parallel_loop3A_108 = tpu.vector_load %arg7[%parallel_loop3A_106, %parallel_loop3A_107] {strides = array<i32>} : memref<128x128xf32, #tpu.memory_space<vmem>>, vector<16xf32>,
          tpu.vector_store %arg7[%parallel_loop3A_106, %parallel_loop3A_107], %parallel_loop3A_103 {strides = array<i32>} : memref<128x128xf32, #tpu.memory_space<vmem>>, vector<16xf32>,
          %parallel_loop3A_109 = arith.index_cast %parallel_loop3A_91 : i32 to index
          %parallel_loop3A_110 = arith.constant 16 : index
          %parallel_loop3A_111 = tpu.vector_load %arg5[%parallel_loop3A_109, %parallel_loop3A_110] {strides = array<i32>} : memref<256x64xf32, #tpu.memory_space<vmem>>, vector<16xf32>,
          %parallel_loop3A_112 = arith.constant 8.000000e+00 : f32
          %parallel_loop3A_113 = vector.broadcast %parallel_loop3A_112 : f32 to vector<16xf32>
          %parallel_loop3A_114 = arith.mulf %parallel_loop3A_111, %parallel_loop3A_113 : vector<16xf32>
          %parallel_loop3A_115 = arith.constant 16 : i32
          %parallel_loop3A_116 = arith.addi %parallel_loop3A_97, %parallel_loop3A_115 : i32
          %parallel_loop3A_117 = arith.index_cast %parallel_loop3A_93 : i32 to index
          %parallel_loop3A_118 = arith.index_cast %parallel_loop3A_116 : i32 to index
          %parallel_loop3A_119 = tpu.vector_load %arg7[%parallel_loop3A_117, %parallel_loop3A_118] {strides = array<i32>} : memref<128x128xf32, #tpu.memory_space<vmem>>, vector<16xf32>,
          tpu.vector_store %arg7[%parallel_loop3A_117, %parallel_loop3A_118], %parallel_loop3A_114 {strides = array<i32>} : memref<128x128xf32, #tpu.memory_space<vmem>>, vector<16xf32>,
          %parallel_loop3A_120 = arith.index_cast %parallel_loop3A_91 : i32 to index
          %parallel_loop3A_121 = arith.constant 32 : index
          %parallel_loop3A_122 = tpu.vector_load %arg5[%parallel_loop3A_120, %parallel_loop3A_121] {strides = array<i32>} : memref<256x64xf32, #tpu.memory_space<vmem>>, vector<16xf32>,
          %parallel_loop3A_123 = arith.constant 8.000000e+00 : f32
          %parallel_loop3A_124 = vector.broadcast %parallel_loop3A_123 : f32 to vector<16xf32>
          %parallel_loop3A_125 = arith.mulf %parallel_loop3A_122, %parallel_loop3A_124 : vector<16xf32>
          %parallel_loop3A_126 = arith.constant 32 : i32
          %parallel_loop3A_127 = arith.addi %parallel_loop3A_97, %parallel_loop3A_126 : i32
          %parallel_loop3A_128 = arith.index_cast %parallel_loop3A_93 : i32 to index
          %parallel_loop3A_129 = arith.index_cast %parallel_loop3A_127 : i32 to index
          %parallel_loop3A_130 = tpu.vector_load %arg7[%parallel_loop3A_128, %parallel_loop3A_129] {strides = array<i32>} : memref<128x128xf32, #tpu.memory_space<vmem>>, vector<16xf32>,
          tpu.vector_store %arg7[%parallel_loop3A_128, %parallel_loop3A_129], %parallel_loop3A_125 {strides = array<i32>} : memref<128x128xf32, #tpu.memory_space<vmem>>, vector<16xf32>,
          %parallel_loop3A_131 = arith.index_cast %parallel_loop3A_91 : i32 to index
          %parallel_loop3A_132 = arith.constant 48 : index
          %parallel_loop3A_133 = tpu.vector_load %arg5[%parallel_loop3A_131, %parallel_loop3A_132] {strides = array<i32>} : memref<256x64xf32, #tpu.memory_space<vmem>>, vector<16xf32>,
          %parallel_loop3A_134 = arith.constant 8.000000e+00 : f32
          %parallel_loop3A_135 = vector.broadcast %parallel_loop3A_134 : f32 to vector<16xf32>
          %parallel_loop3A_136 = arith.mulf %parallel_loop3A_133, %parallel_loop3A_135 : vector<16xf32>
          %parallel_loop3A_137 = arith.constant 48 : i32
          %parallel_loop3A_138 = arith.addi %parallel_loop3A_97, %parallel_loop3A_137 : i32
          %parallel_loop3A_139 = arith.index_cast %parallel_loop3A_93 : i32 to index
          %parallel_loop3A_140 = arith.index_cast %parallel_loop3A_138 : i32 to index
          %parallel_loop3A_141 = tpu.vector_load %arg7[%parallel_loop3A_139, %parallel_loop3A_140] {strides = array<i32>} : memref<128x128xf32, #tpu.memory_space<vmem>>, vector<16xf32>,
          tpu.vector_store %arg7[%parallel_loop3A_139, %parallel_loop3A_140], %parallel_loop3A_136 {strides = array<i32>} : memref<128x128xf32, #tpu.memory_space<vmem>>, vector<16xf32>,
        } {sc.loop_unroll_factor = 8 : i64, sc.parallel_access}
        %add3A_75 = arith.constant 2 : i32
        %add3A_76 = arith.addi %add3A_38, %add3A_75 : i32
        %mul3A_77 = arith.constant 32 : i32
        %mul3A_78 = arith.muli %mul3A_77, %add3A_76 : i32
        %add3A_79 = arith.addi %add3A, %mul3A_78 : i32
        %lt3A_80 = arith.constant 3906 : i32
        %lt3A_81 = arith.cmpi slt, %add3A_79, %lt3A_80 : i32
        %convert_element_type3A_82 = arith.extui %lt3A_81 : i1 to i32
        %cond3A_83 = arith.constant 0 : i32
        %cond3A_84 = arith.cmpi ne, %convert_element_type3A_82, %cond3A_83 : i32
        scf.if %cond3A_84 {
          %add3A_91 = arith.constant 2 : i32
          %add3A_92 = arith.addi %add3A_38, %add3A_91 : i32
          %mul3A_93 = arith.constant 32 : i32
          %mul3A_94 = arith.muli %mul3A_93, %add3A_92 : i32
          %add3A_95 = arith.addi %add3A, %mul3A_94 : i32
          %mul3A_96 = arith.constant 256 : i32
          %mul3A_97 = arith.muli %add3A_95, %mul3A_96 : i32
          %multiple_of3A_98 = tpu.assume_multiple %mul3A_97, 256 : i32
          %dma_start3A_99 = arith.constant 0 : i32
          %dma_start3A_100 = tpu.memref_slice %arg2[%multiple_of3A_98, %dma_start3A_99] : memref<1000000x64xf32, #tpu.memory_space<hbm>> -> memref<256x64xf32, #tpu.memory_space<hbm>>
          %dma_start3A_101 = arith.constant 0 : i32
          %dma_start3A_102 = tpu.memref_slice %arg2[%multiple_of3A_98, %dma_start3A_101] : memref<1000000x64xf32, #tpu.memory_space<hbm>> -> memref<256x64xf32, #tpu.memory_space<hbm>>
          tpu.enqueue_dma source(%dma_start3A_102 : memref<256x64xf32, #tpu.memory_space<hbm>>) target(%arg5 : memref<256x64xf32, #tpu.memory_space<vmem>>) target_semaphore(%arg9 : memref<!tpu.dma_semaphore, #tpu.memory_space<semaphore_mem>>)
        } else {
        }
        %mul3A_85 = arith.constant 128 : i32
        %mul3A_86 = arith.muli %add3A_63, %mul3A_85 : i32
        %multiple_of3A_87 = tpu.assume_multiple %mul3A_86, 8 : i32
        %dma_start3A = arith.constant 0 : i32
        %dma_start3A_88 = tpu.memref_slice %arg4[%multiple_of3A_87, %dma_start3A] : memref<500000x128xf32, #tpu.memory_space<hbm>> -> memref<128x128xf32, #tpu.memory_space<hbm>>
        %dma_start3A_89 = arith.constant 0 : i32
        %dma_start3A_90 = tpu.memref_slice %arg4[%multiple_of3A_87, %dma_start3A_89] : memref<500000x128xf32, #tpu.memory_space<hbm>> -> memref<128x128xf32, #tpu.memory_space<hbm>>
        tpu.enqueue_dma source(%arg7 : memref<128x128xf32, #tpu.memory_space<vmem>>) target(%dma_start3A_90 : memref<128x128xf32, #tpu.memory_space<hbm>>) target_semaphore(%arg11 : memref<!tpu.dma_semaphore, #tpu.memory_space<semaphore_mem>>)
      } else {
      }
      %eq3A_50 = arith.constant 1 : i32
      %eq3A_51 = arith.cmpi eq, %rem3A_39, %eq3A_50 : i32
      %mul3A_52 = arith.constant 32 : i32
      %mul3A_53 = arith.muli %mul3A_52, %add3A_38 : i32
      %add3A_54 = arith.addi %add3A, %mul3A_53 : i32
      %lt3A_55 = arith.constant 3906 : i32
      %lt3A_56 = arith.cmpi slt, %add3A_54, %lt3A_55 : i32
      %and3A_57 = arith.andi %eq3A_51, %lt3A_56 : i1
      %convert_element_type3A_58 = arith.extui %and3A_57 : i1 to i32
      %cond3A_59 = arith.constant 0 : i32
      %cond3A_60 = arith.cmpi ne, %convert_element_type3A_58, %cond3A_59 : i32
      scf.if %cond3A_60 {
        %mul3A_61 = arith.constant 32 : i32
        %mul3A_62 = arith.muli %mul3A_61, %add3A_38 : i32
        %add3A_63 = arith.addi %add3A, %mul3A_62 : i32
        %mul3A_64 = arith.constant 256 : i32
        %mul3A_65 = arith.muli %add3A_63, %mul3A_64 : i32
        %multiple_of3A = tpu.assume_multiple %mul3A_65, 256 : i32
        %dma_wait3A = arith.constant 0 : i32
        %dma_wait3A_66 = tpu.memref_slice %arg2[%multiple_of3A, %dma_wait3A] : memref<1000000x64xf32, #tpu.memory_space<hbm>> -> memref<256x64xf32, #tpu.memory_space<hbm>>
        %dma_wait3A_67 = arith.constant 0 : i32
        %dma_wait3A_68 = tpu.memref_slice %arg2[%multiple_of3A, %dma_wait3A_67] : memref<1000000x64xf32, #tpu.memory_space<hbm>> -> memref<256x64xf32, #tpu.memory_space<hbm>>
        tpu.wait_dma2 semaphore(%arg10 : memref<!tpu.dma_semaphore, #tpu.memory_space<semaphore_mem>>) src(%dma_wait3A_68 : memref<256x64xf32, #tpu.memory_space<hbm>>) dst(%arg6 : memref<256x64xf32, #tpu.memory_space<vmem>>)
        %ge3A = arith.constant 2 : i32
        %ge3A_69 = arith.cmpi sge, %add3A_38, %ge3A : i32
        %convert_element_type3A_70 = arith.extui %ge3A_69 : i1 to i32
        %cond3A_71 = arith.constant 0 : i32
        %cond3A_72 = arith.cmpi ne, %convert_element_type3A_70, %cond3A_71 : i32
        scf.if %cond3A_72 {
          %dma_wait3A_91 = arith.constant 0 : i32
          %dma_wait3A_92 = arith.constant 0 : i32
          %dma_wait3A_93 = tpu.memref_slice %arg4[%dma_wait3A_91, %dma_wait3A_92] : memref<500000x128xf32, #tpu.memory_space<hbm>> -> memref<128x128xf32, #tpu.memory_space<hbm>>
          %dma_wait3A_94 = arith.constant 0 : i32
          %dma_wait3A_95 = arith.constant 0 : i32
          %dma_wait3A_96 = tpu.memref_slice %arg4[%dma_wait3A_94, %dma_wait3A_95] : memref<500000x128xf32, #tpu.memory_space<hbm>> -> memref<128x128xf32, #tpu.memory_space<hbm>>
          tpu.wait_dma2 semaphore(%arg12 : memref<!tpu.dma_semaphore, #tpu.memory_space<semaphore_mem>>) src(%arg8 : memref<128x128xf32, #tpu.memory_space<vmem>>) dst(%dma_wait3A_96 : memref<128x128xf32, #tpu.memory_space<hbm>>)
        } else {
        }
        %parallel_loop3A = arith.constant 0 : i32
        %parallel_loop3A_73 = arith.constant 256 : i32
        %parallel_loop3A_74 = arith.constant 1 : i32
        scf.for %parallel_loop3A_91 = %parallel_loop3A to %parallel_loop3A_73 step %parallel_loop3A_74  : i32 {
          %parallel_loop3A_92 = arith.constant 1 : i32
          %parallel_loop3A_93 = arith.shrui %parallel_loop3A_91, %parallel_loop3A_92 : i32
          %parallel_loop3A_94 = arith.constant 1 : i32
          %parallel_loop3A_95 = arith.andi %parallel_loop3A_91, %parallel_loop3A_94 : i32
          %parallel_loop3A_96 = arith.constant 64 : i32
          %parallel_loop3A_97 = arith.muli %parallel_loop3A_95, %parallel_loop3A_96 : i32
          %parallel_loop3A_98 = arith.index_cast %parallel_loop3A_91 : i32 to index
          %parallel_loop3A_99 = arith.constant 0 : index
          %parallel_loop3A_100 = tpu.vector_load %arg6[%parallel_loop3A_98, %parallel_loop3A_99] {strides = array<i32>} : memref<256x64xf32, #tpu.memory_space<vmem>>, vector<16xf32>,
          %parallel_loop3A_101 = arith.constant 8.000000e+00 : f32
          %parallel_loop3A_102 = vector.broadcast %parallel_loop3A_101 : f32 to vector<16xf32>
          %parallel_loop3A_103 = arith.mulf %parallel_loop3A_100, %parallel_loop3A_102 : vector<16xf32>
          %parallel_loop3A_104 = arith.constant 0 : i32
          %parallel_loop3A_105 = arith.addi %parallel_loop3A_97, %parallel_loop3A_104 : i32
          %parallel_loop3A_106 = arith.index_cast %parallel_loop3A_93 : i32 to index
          %parallel_loop3A_107 = arith.index_cast %parallel_loop3A_105 : i32 to index
          %parallel_loop3A_108 = tpu.vector_load %arg8[%parallel_loop3A_106, %parallel_loop3A_107] {strides = array<i32>} : memref<128x128xf32, #tpu.memory_space<vmem>>, vector<16xf32>,
          tpu.vector_store %arg8[%parallel_loop3A_106, %parallel_loop3A_107], %parallel_loop3A_103 {strides = array<i32>} : memref<128x128xf32, #tpu.memory_space<vmem>>, vector<16xf32>,
          %parallel_loop3A_109 = arith.index_cast %parallel_loop3A_91 : i32 to index
          %parallel_loop3A_110 = arith.constant 16 : index
          %parallel_loop3A_111 = tpu.vector_load %arg6[%parallel_loop3A_109, %parallel_loop3A_110] {strides = array<i32>} : memref<256x64xf32, #tpu.memory_space<vmem>>, vector<16xf32>,
          %parallel_loop3A_112 = arith.constant 8.000000e+00 : f32
          %parallel_loop3A_113 = vector.broadcast %parallel_loop3A_112 : f32 to vector<16xf32>
          %parallel_loop3A_114 = arith.mulf %parallel_loop3A_111, %parallel_loop3A_113 : vector<16xf32>
          %parallel_loop3A_115 = arith.constant 16 : i32
          %parallel_loop3A_116 = arith.addi %parallel_loop3A_97, %parallel_loop3A_115 : i32
          %parallel_loop3A_117 = arith.index_cast %parallel_loop3A_93 : i32 to index
          %parallel_loop3A_118 = arith.index_cast %parallel_loop3A_116 : i32 to index
          %parallel_loop3A_119 = tpu.vector_load %arg8[%parallel_loop3A_117, %parallel_loop3A_118] {strides = array<i32>} : memref<128x128xf32, #tpu.memory_space<vmem>>, vector<16xf32>,
          tpu.vector_store %arg8[%parallel_loop3A_117, %parallel_loop3A_118], %parallel_loop3A_114 {strides = array<i32>} : memref<128x128xf32, #tpu.memory_space<vmem>>, vector<16xf32>,
          %parallel_loop3A_120 = arith.index_cast %parallel_loop3A_91 : i32 to index
          %parallel_loop3A_121 = arith.constant 32 : index
          %parallel_loop3A_122 = tpu.vector_load %arg6[%parallel_loop3A_120, %parallel_loop3A_121] {strides = array<i32>} : memref<256x64xf32, #tpu.memory_space<vmem>>, vector<16xf32>,
          %parallel_loop3A_123 = arith.constant 8.000000e+00 : f32
          %parallel_loop3A_124 = vector.broadcast %parallel_loop3A_123 : f32 to vector<16xf32>
          %parallel_loop3A_125 = arith.mulf %parallel_loop3A_122, %parallel_loop3A_124 : vector<16xf32>
          %parallel_loop3A_126 = arith.constant 32 : i32
          %parallel_loop3A_127 = arith.addi %parallel_loop3A_97, %parallel_loop3A_126 : i32
          %parallel_loop3A_128 = arith.index_cast %parallel_loop3A_93 : i32 to index
          %parallel_loop3A_129 = arith.index_cast %parallel_loop3A_127 : i32 to index
          %parallel_loop3A_130 = tpu.vector_load %arg8[%parallel_loop3A_128, %parallel_loop3A_129] {strides = array<i32>} : memref<128x128xf32, #tpu.memory_space<vmem>>, vector<16xf32>,
          tpu.vector_store %arg8[%parallel_loop3A_128, %parallel_loop3A_129], %parallel_loop3A_125 {strides = array<i32>} : memref<128x128xf32, #tpu.memory_space<vmem>>, vector<16xf32>,
          %parallel_loop3A_131 = arith.index_cast %parallel_loop3A_91 : i32 to index
          %parallel_loop3A_132 = arith.constant 48 : index
          %parallel_loop3A_133 = tpu.vector_load %arg6[%parallel_loop3A_131, %parallel_loop3A_132] {strides = array<i32>} : memref<256x64xf32, #tpu.memory_space<vmem>>, vector<16xf32>,
          %parallel_loop3A_134 = arith.constant 8.000000e+00 : f32
          %parallel_loop3A_135 = vector.broadcast %parallel_loop3A_134 : f32 to vector<16xf32>
          %parallel_loop3A_136 = arith.mulf %parallel_loop3A_133, %parallel_loop3A_135 : vector<16xf32>
          %parallel_loop3A_137 = arith.constant 48 : i32
          %parallel_loop3A_138 = arith.addi %parallel_loop3A_97, %parallel_loop3A_137 : i32
          %parallel_loop3A_139 = arith.index_cast %parallel_loop3A_93 : i32 to index
          %parallel_loop3A_140 = arith.index_cast %parallel_loop3A_138 : i32 to index
          %parallel_loop3A_141 = tpu.vector_load %arg8[%parallel_loop3A_139, %parallel_loop3A_140] {strides = array<i32>} : memref<128x128xf32, #tpu.memory_space<vmem>>, vector<16xf32>,
          tpu.vector_store %arg8[%parallel_loop3A_139, %parallel_loop3A_140], %parallel_loop3A_136 {strides = array<i32>} : memref<128x128xf32, #tpu.memory_space<vmem>>, vector<16xf32>,
        } {sc.loop_unroll_factor = 8 : i64, sc.parallel_access}
        %add3A_75 = arith.constant 2 : i32
        %add3A_76 = arith.addi %add3A_38, %add3A_75 : i32
        %mul3A_77 = arith.constant 32 : i32
        %mul3A_78 = arith.muli %mul3A_77, %add3A_76 : i32
        %add3A_79 = arith.addi %add3A, %mul3A_78 : i32
        %lt3A_80 = arith.constant 3906 : i32
        %lt3A_81 = arith.cmpi slt, %add3A_79, %lt3A_80 : i32
        %convert_element_type3A_82 = arith.extui %lt3A_81 : i1 to i32
        %cond3A_83 = arith.constant 0 : i32
        %cond3A_84 = arith.cmpi ne, %convert_element_type3A_82, %cond3A_83 : i32
        scf.if %cond3A_84 {
          %add3A_91 = arith.constant 2 : i32
          %add3A_92 = arith.addi %add3A_38, %add3A_91 : i32
          %mul3A_93 = arith.constant 32 : i32
          %mul3A_94 = arith.muli %mul3A_93, %add3A_92 : i32
          %add3A_95 = arith.addi %add3A, %mul3A_94 : i32
          %mul3A_96 = arith.constant 256 : i32
          %mul3A_97 = arith.muli %add3A_95, %mul3A_96 : i32
          %multiple_of3A_98 = tpu.assume_multiple %mul3A_97, 256 : i32
          %dma_start3A_99 = arith.constant 0 : i32
          %dma_start3A_100 = tpu.memref_slice %arg2[%multiple_of3A_98, %dma_start3A_99] : memref<1000000x64xf32, #tpu.memory_space<hbm>> -> memref<256x64xf32, #tpu.memory_space<hbm>>
          %dma_start3A_101 = arith.constant 0 : i32
          %dma_start3A_102 = tpu.memref_slice %arg2[%multiple_of3A_98, %dma_start3A_101] : memref<1000000x64xf32, #tpu.memory_space<hbm>> -> memref<256x64xf32, #tpu.memory_space<hbm>>
          tpu.enqueue_dma source(%dma_start3A_102 : memref<256x64xf32, #tpu.memory_space<hbm>>) target(%arg6 : memref<256x64xf32, #tpu.memory_space<vmem>>) target_semaphore(%arg10 : memref<!tpu.dma_semaphore, #tpu.memory_space<semaphore_mem>>)
        } else {
        }
        %mul3A_85 = arith.constant 128 : i32
        %mul3A_86 = arith.muli %add3A_63, %mul3A_85 : i32
        %multiple_of3A_87 = tpu.assume_multiple %mul3A_86, 8 : i32
        %dma_start3A = arith.constant 0 : i32
        %dma_start3A_88 = tpu.memref_slice %arg4[%multiple_of3A_87, %dma_start3A] : memref<500000x128xf32, #tpu.memory_space<hbm>> -> memref<128x128xf32, #tpu.memory_space<hbm>>
        %dma_start3A_89 = arith.constant 0 : i32
        %dma_start3A_90 = tpu.memref_slice %arg4[%multiple_of3A_87, %dma_start3A_89] : memref<500000x128xf32, #tpu.memory_space<hbm>> -> memref<128x128xf32, #tpu.memory_space<hbm>>
        tpu.enqueue_dma source(%arg8 : memref<128x128xf32, #tpu.memory_space<vmem>>) target(%dma_start3A_90 : memref<128x128xf32, #tpu.memory_space<hbm>>) target_semaphore(%arg12 : memref<!tpu.dma_semaphore, #tpu.memory_space<semaphore_mem>>)
      } else {
      }
    }
    %scan3A_15 = arith.constant 123 : i32
    %add3A_16 = arith.constant 3904 : i32
    %add3A_17 = arith.addi %add3A, %add3A_16 : i32
    %lt3A_18 = arith.constant 3906 : i32
    %lt3A_19 = arith.cmpi slt, %add3A_17, %lt3A_18 : i32
    %convert_element_type3A_20 = arith.extui %lt3A_19 : i1 to i32
    %cond3A_21 = arith.constant 0 : i32
    %cond3A_22 = arith.cmpi ne, %convert_element_type3A_20, %cond3A_21 : i32
    scf.if %cond3A_22 {
      %dma_wait3A = arith.constant 0 : i32
      %dma_wait3A_34 = arith.constant 0 : i32
      %dma_wait3A_35 = tpu.memref_slice %arg4[%dma_wait3A, %dma_wait3A_34] : memref<500000x128xf32, #tpu.memory_space<hbm>> -> memref<128x128xf32, #tpu.memory_space<hbm>>
      %dma_wait3A_36 = arith.constant 0 : i32
      %dma_wait3A_37 = arith.constant 0 : i32
      %dma_wait3A_38 = tpu.memref_slice %arg4[%dma_wait3A_36, %dma_wait3A_37] : memref<500000x128xf32, #tpu.memory_space<hbm>> -> memref<128x128xf32, #tpu.memory_space<hbm>>
      tpu.wait_dma2 semaphore(%arg11 : memref<!tpu.dma_semaphore, #tpu.memory_space<semaphore_mem>>) src(%arg7 : memref<128x128xf32, #tpu.memory_space<vmem>>) dst(%dma_wait3A_38 : memref<128x128xf32, #tpu.memory_space<hbm>>)
    } else {
    }
    %add3A_23 = arith.constant 3872 : i32
    %add3A_24 = arith.addi %add3A, %add3A_23 : i32
    %lt3A_25 = arith.constant 3906 : i32
    %lt3A_26 = arith.cmpi slt, %add3A_24, %lt3A_25 : i32
    %convert_element_type3A_27 = arith.extui %lt3A_26 : i1 to i32
    %cond3A_28 = arith.constant 0 : i32
    %cond3A_29 = arith.cmpi ne, %convert_element_type3A_27, %cond3A_28 : i32
    scf.if %cond3A_29 {
      %dma_wait3A = arith.constant 0 : i32
      %dma_wait3A_34 = arith.constant 0 : i32
      %dma_wait3A_35 = tpu.memref_slice %arg4[%dma_wait3A, %dma_wait3A_34] : memref<500000x128xf32, #tpu.memory_space<hbm>> -> memref<128x128xf32, #tpu.memory_space<hbm>>
      %dma_wait3A_36 = arith.constant 0 : i32
      %dma_wait3A_37 = arith.constant 0 : i32
      %dma_wait3A_38 = tpu.memref_slice %arg4[%dma_wait3A_36, %dma_wait3A_37] : memref<500000x128xf32, #tpu.memory_space<hbm>> -> memref<128x128xf32, #tpu.memory_space<hbm>>
      tpu.wait_dma2 semaphore(%arg12 : memref<!tpu.dma_semaphore, #tpu.memory_space<semaphore_mem>>) src(%arg8 : memref<128x128xf32, #tpu.memory_space<vmem>>) dst(%dma_wait3A_38 : memref<128x128xf32, #tpu.memory_space<hbm>>)
    } else {
    }
    %eq3A = arith.constant 0 : i32
    %eq3A_30 = arith.cmpi eq, %add3A, %eq3A : i32
    %convert_element_type3A_31 = arith.extui %eq3A_30 : i1 to i32
    %cond3A_32 = arith.constant 0 : i32
    %cond3A_33 = arith.cmpi ne, %convert_element_type3A_31, %cond3A_32 : i32
    scf.if %cond3A_33 {
      "tpu.region"() ({
        %run_scoped3A = tpu.sem_alloc : memref<!tpu.dma_semaphore, #tpu.memory_space<semaphore_mem>>
        %dma_start3A = arith.constant 0 : i32
        %dma_start3A_39 = arith.constant 0 : i32
        %dma_start3A_40 = tpu.memref_slice %arg7[%dma_start3A, %dma_start3A_39] : memref<128x128xf32, #tpu.memory_space<vmem>> -> memref<32x128xf32, #tpu.memory_space<vmem>>
        %dma_start3A_41 = arith.constant 0 : i32
        %dma_start3A_42 = arith.constant 0 : i32
        %dma_start3A_43 = tpu.memref_slice %arg7[%dma_start3A_41, %dma_start3A_42] : memref<128x128xf32, #tpu.memory_space<vmem>> -> memref<32x128xf32, #tpu.memory_space<vmem>>
        tpu.enqueue_dma source(%arg3 : memref<32x128xf32, #tpu.memory_space<hbm>>) target(%dma_start3A_43 : memref<32x128xf32, #tpu.memory_space<vmem>>) target_semaphore(%run_scoped3A : memref<!tpu.dma_semaphore, #tpu.memory_space<semaphore_mem>>)
        %dma_wait3A = arith.constant 0 : i32
        %dma_wait3A_44 = arith.constant 0 : i32
        %dma_wait3A_45 = tpu.memref_slice %arg7[%dma_wait3A, %dma_wait3A_44] : memref<128x128xf32, #tpu.memory_space<vmem>> -> memref<32x128xf32, #tpu.memory_space<vmem>>
        %dma_wait3A_46 = arith.constant 0 : i32
        %dma_wait3A_47 = arith.constant 0 : i32
        %dma_wait3A_48 = tpu.memref_slice %arg7[%dma_wait3A_46, %dma_wait3A_47] : memref<128x128xf32, #tpu.memory_space<vmem>> -> memref<32x128xf32, #tpu.memory_space<vmem>>
        tpu.wait_dma2 semaphore(%run_scoped3A : memref<!tpu.dma_semaphore, #tpu.memory_space<semaphore_mem>>) src(%arg3 : memref<32x128xf32, #tpu.memory_space<hbm>>) dst(%dma_wait3A_48 : memref<32x128xf32, #tpu.memory_space<vmem>>)
        tpu.yield
      }) : () -> ()
      %scan3A_34 = arith.constant 0 : i32
      %scan3A_35 = arith.constant 32 : i32
      %scan3A_36 = arith.addi %scan3A_34, %scan3A_35 : i32
      %scan3A_37 = arith.constant 1 : i32
      scf.for %scan3A_39 = %scan3A_34 to %scan3A_36 step %scan3A_37  : i32 {
        %mul3A_40 = arith.constant 1 : i32
        %mul3A_41 = arith.muli %scan3A_39, %mul3A_40 : i32
        %add3A_42 = arith.constant 0 : i32
        %add3A_43 = arith.addi %add3A_42, %mul3A_41 : i32
        %get3A = arith.index_cast %add3A_43 : i32 to index
        %get3A_44 = arith.constant 0 : index
        %get3A_45 = tpu.vector_load %arg7[%get3A, %get3A_44] {strides = array<i32>} : memref<128x128xf32, #tpu.memory_space<vmem>>, vector<16xf32>,
        %mul3A_46 = arith.constant 8.000000e+00 : f32
        %mul3A_47 = vector.broadcast %mul3A_46 : f32 to vector<16xf32>
        %mul3A_48 = arith.mulf %get3A_45, %mul3A_47 : vector<16xf32>
        %swap3A = arith.index_cast %add3A_43 : i32 to index
        %swap3A_49 = arith.constant 0 : index
        %swap3A_50 = tpu.vector_load %arg7[%swap3A, %swap3A_49] {strides = array<i32>} : memref<128x128xf32, #tpu.memory_space<vmem>>, vector<16xf32>,
        tpu.vector_store %arg7[%swap3A, %swap3A_49], %mul3A_48 {strides = array<i32>} : memref<128x128xf32, #tpu.memory_space<vmem>>, vector<16xf32>,
        %get3A_51 = arith.index_cast %add3A_43 : i32 to index
        %get3A_52 = arith.constant 16 : index
        %get3A_53 = tpu.vector_load %arg7[%get3A_51, %get3A_52] {strides = array<i32>} : memref<128x128xf32, #tpu.memory_space<vmem>>, vector<16xf32>,
        %mul3A_54 = arith.constant 8.000000e+00 : f32
        %mul3A_55 = vector.broadcast %mul3A_54 : f32 to vector<16xf32>
        %mul3A_56 = arith.mulf %get3A_53, %mul3A_55 : vector<16xf32>
        %swap3A_57 = arith.index_cast %add3A_43 : i32 to index
        %swap3A_58 = arith.constant 16 : index
        %swap3A_59 = tpu.vector_load %arg7[%swap3A_57, %swap3A_58] {strides = array<i32>} : memref<128x128xf32, #tpu.memory_space<vmem>>, vector<16xf32>,
        tpu.vector_store %arg7[%swap3A_57, %swap3A_58], %mul3A_56 {strides = array<i32>} : memref<128x128xf32, #tpu.memory_space<vmem>>, vector<16xf32>,
        %get3A_60 = arith.index_cast %add3A_43 : i32 to index
        %get3A_61 = arith.constant 32 : index
        %get3A_62 = tpu.vector_load %arg7[%get3A_60, %get3A_61] {strides = array<i32>} : memref<128x128xf32, #tpu.memory_space<vmem>>, vector<16xf32>,
        %mul3A_63 = arith.constant 8.000000e+00 : f32
        %mul3A_64 = vector.broadcast %mul3A_63 : f32 to vector<16xf32>
        %mul3A_65 = arith.mulf %get3A_62, %mul3A_64 : vector<16xf32>
        %swap3A_66 = arith.index_cast %add3A_43 : i32 to index
        %swap3A_67 = arith.constant 32 : index
        %swap3A_68 = tpu.vector_load %arg7[%swap3A_66, %swap3A_67] {strides = array<i32>} : memref<128x128xf32, #tpu.memory_space<vmem>>, vector<16xf32>,
        tpu.vector_store %arg7[%swap3A_66, %swap3A_67], %mul3A_65 {strides = array<i32>} : memref<128x128xf32, #tpu.memory_space<vmem>>, vector<16xf32>,
        %get3A_69 = arith.index_cast %add3A_43 : i32 to index
        %get3A_70 = arith.constant 48 : index
        %get3A_71 = tpu.vector_load %arg7[%get3A_69, %get3A_70] {strides = array<i32>} : memref<128x128xf32, #tpu.memory_space<vmem>>, vector<16xf32>,
        %mul3A_72 = arith.constant 8.000000e+00 : f32
        %mul3A_73 = vector.broadcast %mul3A_72 : f32 to vector<16xf32>
        %mul3A_74 = arith.mulf %get3A_71, %mul3A_73 : vector<16xf32>
        %swap3A_75 = arith.index_cast %add3A_43 : i32 to index
        %swap3A_76 = arith.constant 48 : index
        %swap3A_77 = tpu.vector_load %arg7[%swap3A_75, %swap3A_76] {strides = array<i32>} : memref<128x128xf32, #tpu.memory_space<vmem>>, vector<16xf32>,
        tpu.vector_store %arg7[%swap3A_75, %swap3A_76], %mul3A_74 {strides = array<i32>} : memref<128x128xf32, #tpu.memory_space<vmem>>, vector<16xf32>,
        %get3A_78 = arith.index_cast %add3A_43 : i32 to index
        %get3A_79 = arith.constant 64 : index
        %get3A_80 = tpu.vector_load %arg7[%get3A_78, %get3A_79] {strides = array<i32>} : memref<128x128xf32, #tpu.memory_space<vmem>>, vector<16xf32>,
        %mul3A_81 = arith.constant 8.000000e+00 : f32
        %mul3A_82 = vector.broadcast %mul3A_81 : f32 to vector<16xf32>
        %mul3A_83 = arith.mulf %get3A_80, %mul3A_82 : vector<16xf32>
        %swap3A_84 = arith.index_cast %add3A_43 : i32 to index
        %swap3A_85 = arith.constant 64 : index
        %swap3A_86 = tpu.vector_load %arg7[%swap3A_84, %swap3A_85] {strides = array<i32>} : memref<128x128xf32, #tpu.memory_space<vmem>>, vector<16xf32>,
        tpu.vector_store %arg7[%swap3A_84, %swap3A_85], %mul3A_83 {strides = array<i32>} : memref<128x128xf32, #tpu.memory_space<vmem>>, vector<16xf32>,
        %get3A_87 = arith.index_cast %add3A_43 : i32 to index
        %get3A_88 = arith.constant 80 : index
        %get3A_89 = tpu.vector_load %arg7[%get3A_87, %get3A_88] {strides = array<i32>} : memref<128x128xf32, #tpu.memory_space<vmem>>, vector<16xf32>,
        %mul3A_90 = arith.constant 8.000000e+00 : f32
        %mul3A_91 = vector.broadcast %mul3A_90 : f32 to vector<16xf32>
        %mul3A_92 = arith.mulf %get3A_89, %mul3A_91 : vector<16xf32>
        %swap3A_93 = arith.index_cast %add3A_43 : i32 to index
        %swap3A_94 = arith.constant 80 : index
        %swap3A_95 = tpu.vector_load %arg7[%swap3A_93, %swap3A_94] {strides = array<i32>} : memref<128x128xf32, #tpu.memory_space<vmem>>, vector<16xf32>,
        tpu.vector_store %arg7[%swap3A_93, %swap3A_94], %mul3A_92 {strides = array<i32>} : memref<128x128xf32, #tpu.memory_space<vmem>>, vector<16xf32>,
        %get3A_96 = arith.index_cast %add3A_43 : i32 to index
        %get3A_97 = arith.constant 96 : index
        %get3A_98 = tpu.vector_load %arg7[%get3A_96, %get3A_97] {strides = array<i32>} : memref<128x128xf32, #tpu.memory_space<vmem>>, vector<16xf32>,
        %mul3A_99 = arith.constant 8.000000e+00 : f32
        %mul3A_100 = vector.broadcast %mul3A_99 : f32 to vector<16xf32>
        %mul3A_101 = arith.mulf %get3A_98, %mul3A_100 : vector<16xf32>
        %swap3A_102 = arith.index_cast %add3A_43 : i32 to index
        %swap3A_103 = arith.constant 96 : index
        %swap3A_104 = tpu.vector_load %arg7[%swap3A_102, %swap3A_103] {strides = array<i32>} : memref<128x128xf32, #tpu.memory_space<vmem>>, vector<16xf32>,
        tpu.vector_store %arg7[%swap3A_102, %swap3A_103], %mul3A_101 {strides = array<i32>} : memref<128x128xf32, #tpu.memory_space<vmem>>, vector<16xf32>,
        %get3A_105 = arith.index_cast %add3A_43 : i32 to index
        %get3A_106 = arith.constant 112 : index
        %get3A_107 = tpu.vector_load %arg7[%get3A_105, %get3A_106] {strides = array<i32>} : memref<128x128xf32, #tpu.memory_space<vmem>>, vector<16xf32>,
        %mul3A_108 = arith.constant 8.000000e+00 : f32
        %mul3A_109 = vector.broadcast %mul3A_108 : f32 to vector<16xf32>
        %mul3A_110 = arith.mulf %get3A_107, %mul3A_109 : vector<16xf32>
        %swap3A_111 = arith.index_cast %add3A_43 : i32 to index
        %swap3A_112 = arith.constant 112 : index
        %swap3A_113 = tpu.vector_load %arg7[%swap3A_111, %swap3A_112] {strides = array<i32>} : memref<128x128xf32, #tpu.memory_space<vmem>>, vector<16xf32>,
        tpu.vector_store %arg7[%swap3A_111, %swap3A_112], %mul3A_110 {strides = array<i32>} : memref<128x128xf32, #tpu.memory_space<vmem>>, vector<16xf32>,
      }
      %scan3A_38 = arith.constant 32 : i32
      "tpu.region"() ({
        %run_scoped3A = tpu.sem_alloc : memref<!tpu.dma_semaphore, #tpu.memory_space<semaphore_mem>>
        %dma_start3A = arith.constant 0 : i32
        %dma_start3A_39 = arith.constant 0 : i32
        %dma_start3A_40 = tpu.memref_slice %arg7[%dma_start3A, %dma_start3A_39] : memref<128x128xf32, #tpu.memory_space<vmem>> -> memref<32x128xf32, #tpu.memory_space<vmem>>
        %dma_start3A_41 = arith.constant 499968 : i32
        %dma_start3A_42 = arith.constant 0 : i32
        %dma_start3A_43 = tpu.memref_slice %arg4[%dma_start3A_41, %dma_start3A_42] : memref<500000x128xf32, #tpu.memory_space<hbm>> -> memref<32x128xf32, #tpu.memory_space<hbm>>
        %dma_start3A_44 = arith.constant 499968 : i32
        %dma_start3A_45 = arith.constant 0 : i32
        %dma_start3A_46 = tpu.memref_slice %arg4[%dma_start3A_44, %dma_start3A_45] : memref<500000x128xf32, #tpu.memory_space<hbm>> -> memref<32x128xf32, #tpu.memory_space<hbm>>
        %dma_start3A_47 = arith.constant 0 : i32
        %dma_start3A_48 = arith.constant 0 : i32
        %dma_start3A_49 = tpu.memref_slice %arg7[%dma_start3A_47, %dma_start3A_48] : memref<128x128xf32, #tpu.memory_space<vmem>> -> memref<32x128xf32, #tpu.memory_space<vmem>>
        tpu.enqueue_dma source(%dma_start3A_49 : memref<32x128xf32, #tpu.memory_space<vmem>>) target(%dma_start3A_46 : memref<32x128xf32, #tpu.memory_space<hbm>>) target_semaphore(%run_scoped3A : memref<!tpu.dma_semaphore, #tpu.memory_space<semaphore_mem>>)
        %dma_wait3A = arith.constant 0 : i32
        %dma_wait3A_50 = arith.constant 0 : i32
        %dma_wait3A_51 = tpu.memref_slice %arg7[%dma_wait3A, %dma_wait3A_50] : memref<128x128xf32, #tpu.memory_space<vmem>> -> memref<32x128xf32, #tpu.memory_space<vmem>>
        %dma_wait3A_52 = arith.constant 499968 : i32
        %dma_wait3A_53 = arith.constant 0 : i32
        %dma_wait3A_54 = tpu.memref_slice %arg4[%dma_wait3A_52, %dma_wait3A_53] : memref<500000x128xf32, #tpu.memory_space<hbm>> -> memref<32x128xf32, #tpu.memory_space<hbm>>
        %dma_wait3A_55 = arith.constant 499968 : i32
        %dma_wait3A_56 = arith.constant 0 : i32
        %dma_wait3A_57 = tpu.memref_slice %arg4[%dma_wait3A_55, %dma_wait3A_56] : memref<500000x128xf32, #tpu.memory_space<hbm>> -> memref<32x128xf32, #tpu.memory_space<hbm>>
        %dma_wait3A_58 = arith.constant 0 : i32
        %dma_wait3A_59 = arith.constant 0 : i32
        %dma_wait3A_60 = tpu.memref_slice %arg7[%dma_wait3A_58, %dma_wait3A_59] : memref<128x128xf32, #tpu.memory_space<vmem>> -> memref<32x128xf32, #tpu.memory_space<vmem>>
        tpu.wait_dma2 semaphore(%run_scoped3A : memref<!tpu.dma_semaphore, #tpu.memory_space<semaphore_mem>>) src(%dma_wait3A_60 : memref<32x128xf32, #tpu.memory_space<vmem>>) dst(%dma_wait3A_57 : memref<32x128xf32, #tpu.memory_space<hbm>>)
        tpu.yield
      }) : () -> ()
    } else {
    }
    return
  }
}

</mosaic_0001>

<sc_bundles>
// kernel: _embed.4.cloned.1.call-start
scs
__scs_entry_jumppad:
0x0: {  	(pc) =	sbr.rel $0x88, $3  }
0x1: {  	(tag) =	ssettag $0x0;
	lr =	simm.s32 $0x1  }
0x2: {  	[smem:$0x3F9F] =	sst lr;
	_ =	strace $0xD0000000  }
0x3: {  	_ = 	snop  }
0x4: {  	_ = 	snop  }
0x5: {  	_ = 	snop  }
0x6: {  	_ = 	snop  }
0x7: {  	_ = 	snop  }
__scs_overlays_trampoline_lowered:
0x8: {  	[smem:$0x3FAE] =	sst s0  }
0x9: {  	[smem:$0x3FAF] =	sst s1  }
0xa: {  	[smem:$0x3FB0] =	sst s2  }
0xb: {  	[smem:$0x3FB1] =	sst s3  }
0xc: {  	[smem:$0x3FB2] =	sst s4  }
0xd: {  	[smem:$0x3FB3] =	sst s5  }
0xe: {  	[smem:$0x3FB4] =	sst s6  }
0xf: {  	[smem:$0x3FB5] =	sst s7  }
0x10: {  	[smem:$0x3FB6] =	sst s8  }
0x11: {  	[smem:$0x3FB7] =	sst s9;
	s0 =	simm.s32 @!p0 $0x0  }
0x12: {  	s1 =	sld [smem:$0x3F9D];
	s0 =	simm.s32 @p0 $0x1  }
0x13: {  	[smem:$0x3FB8] =	sst s0;
	s0 =	simm.s32 @!p1 $0x0  }
0x14: {  	s2 =	sld [smem:$0x3F9C];
	s0 =	simm.s32 @p1 $0x1  }
0x15: {  	[smem:$0x3FB9] =	sst s0;
	s0 =	simm.s32 @!p2 $0x0  }
0x16: {  	s3 =	sld [smem:$0x3FDB];
	s0 =	simm.s32 @p2 $0x1  }
0x17: {  	s4 =	simm.s32 $0x1BF5;
	[smem:$0x3FBB] =	sst s0  }
0x18: {  	s0 =	sld [smem:$0x3F9E];
	_ =	swait.ge [sflag:s4], $0x0  }
0x19: {  	s7 =	sld [smem:$0x3F9F]  }
0x1a: {  	s8 =	sadd.s32 $0xFFFFE003, lr  }
0x1b: {  	s9 =	sadd.s32 $0xFFFFFEF7, lr;
	s5 =	simm.s32 $0xFFFFFFFF;
	p2 =	slt.u32 s8, $0xFFFFF086  }
0x1c: {  	p1 =	slt.u32 s9, $0xF7A;
	s5 =	simm.s32 @!p2 $0x0  }
0x1d: {  	s5 =	simm.s32 @p1 $0x1;
	p0 =	seq.s32 s7, s2  }
0x1e: {  	s7 =	smul.u32 @!p0 $0xF7A, s2;
	p2 =	seq.s32 @!p0 s5, $0x0  }
0x1f: {  	s9 =	smul.u32 $0xF7A, s1;
	s8 =	simm.s32 @!p0 $0x1BF5;
	p2 =	por !p2, p0  }
0x20: {  	[sflag:s8] =	ssyncset.s32 @!p0 $0xFFFFF086;
	s6 =	sadd.s32 @!p0 s3, s7;
	s7 =	simm.s32 @!p0 $0x108  }
0x21: {  	s3 =	sadd.s32 s3, s9;
	s6 =	sadd.s32 @!p0 $0x88, s6;
	s7 =	simm.s32 @p2 $0x1082  }
0x22: {  	[simem:s7], [sflag:s8] =	dma.local @!p0 [hbm:s6], $0xF7A  }
0x23: {  	s9 =	sor.u32 $0xD0000000, s2;
	s6 =	simm.s32 $0x108;
	_ =	swait.ge @!p0 [sflag:s8], $0x0  }
0x24: {  	s3 =	sadd.s32 $0x88, s3;
	s6 =	simm.s32 @!p1 $0x1082;
	[sflag:s4] =	ssyncset.s32 $0xFFFFF086  }
0x25: {  	[simem:s6], [sflag:s4] =	dma.local [hbm:s3], $0xF7A  }
0x26: {  	[smem:$0x3F9F] =	sst s1;
	(tag) =	ssettag s2;
	_ =	strace s9  }
0x27: {  	s1 =	sld [smem:$0x3FAF]  }
0x28: {  	s2 =	sld [smem:$0x3FB0]  }
0x29: {  	s4 =	sld [smem:$0x3FB2]  }
0x2a: {  	p0 =	seq.s32 s5, $0x0;
	s5 =	sld [smem:$0x3FB3]  }
0x2b: {  	s6 =	sld [smem:$0x3FB4]  }
0x2c: {  	s7 =	sld [smem:$0x3FB5]  }
0x2d: {  	s3 =	simm.s32 $0x108;
	s8 =	sld [smem:$0x3FB6]  }
0x2e: {  	s3 =	simm.s32 @!p0 $0x1082;
	s9 =	sld [smem:$0x3FB7]  }
0x2f: {  	lr =	sadd.s32 s0, s3;
	s0 =	sld [smem:$0x3FAE]  }
0x30: {  	s3 =	sld [smem:$0x3FB1]  }
0x31: {  	[smem:$0x3FBA] =	sst s10  }
0x32: {  	s10 =	sld [smem:$0x3FB8];
	_ =	sdelay $0x3  }
0x33: {  	p0 =	seq.s32 s10, $0x1;
	s10 =	sld [smem:$0x3FBA];
	_ =	sdelay $0x3  }
0x34: {  	[smem:$0x3FBA] =	sst s10  }
0x35: {  	s10 =	sld [smem:$0x3FB9];
	_ =	sdelay $0x3  }
0x36: {  	p1 =	seq.s32 s10, $0x1;
	s10 =	sld [smem:$0x3FBA];
	_ =	sdelay $0x3  }
0x37: {  	[smem:$0x3FBA] =	sst s10  }
0x38: {  	s10 =	sld [smem:$0x3FBB]  }
0x39: {  	_ = 	snop;
	(pc) =	sbr.ind lr, $3  }
0x3a: {  	_ = 	snop  }
0x3b: {  	_ = 	snop  }
0x3c: {  	p2 =	seq.s32 s10, $0x1;
	s10 =	sld [smem:$0x3FBA]  }
0x3d: {  	_ =	shalt  }
0x3e: {  	_ =	shalt  }
0x3f: {  	_ =	shalt  }
0x40: {  	_ =	shalt  }
0x41: {  	_ =	shalt  }
0x42: {  	_ =	shalt  }
0x43: {  	_ =	shalt  }
0x44: {  	_ =	shalt  }
0x45: {  	_ =	shalt  }
0x46: {  	_ =	shalt  }
0x47: {  	_ =	shalt  }
0x48: {  	_ =	shalt  }
0x49: {  	_ =	shalt  }
0x4a: {  	_ =	shalt  }
0x4b: {  	_ =	shalt  }
0x4c: {  	_ =	shalt  }
0x4d: {  	_ =	shalt  }
0x4e: {  	_ =	shalt  }
0x4f: {  	_ =	shalt  }
0x50: {  	_ =	shalt  }
0x51: {  	_ =	shalt  }
0x52: {  	_ =	shalt  }
0x53: {  	_ =	shalt  }
0x54: {  	_ =	shalt  }
0x55: {  	_ =	shalt  }
0x56: {  	_ =	shalt  }
0x57: {  	_ =	shalt  }
0x58: {  	_ =	shalt  }
0x59: {  	_ =	shalt  }
0x5a: {  	_ =	shalt  }
0x5b: {  	_ =	shalt  }
0x5c: {  	_ =	shalt  }
0x5d: {  	_ =	shalt  }
0x5e: {  	_ =	shalt  }
0x5f: {  	_ =	shalt  }
0x60: {  	_ =	shalt  }
0x61: {  	_ =	shalt  }
0x62: {  	_ =	shalt  }
0x63: {  	_ =	shalt  }
0x64: {  	_ =	shalt  }
0x65: {  	_ =	shalt  }
0x66: {  	_ =	shalt  }
0x67: {  	_ =	shalt  }
0x68: {  	_ =	shalt  }
0x69: {  	_ =	shalt  }
0x6a: {  	_ =	shalt  }
0x6b: {  	_ =	shalt  }
0x6c: {  	_ =	shalt  }
0x6d: {  	_ =	shalt  }
0x6e: {  	_ =	shalt  }
0x6f: {  	_ =	shalt  }
0x70: {  	_ =	shalt  }
0x71: {  	_ =	shalt  }
0x72: {  	_ =	shalt  }
0x73: {  	_ =	shalt  }
0x74: {  	_ =	shalt  }
0x75: {  	_ =	shalt  }
0x76: {  	_ =	shalt  }
0x77: {  	_ =	shalt  }
0x78: {  	_ =	shalt  }
0x79: {  	_ =	shalt  }
0x7a: {  	_ =	shalt  }
0x7b: {  	_ =	shalt  }
0x7c: {  	_ =	shalt  }
0x7d: {  	_ =	shalt  }
0x7e: {  	_ =	shalt  }
0x7f: {  	_ =	shalt  }
0x80: {  	_ =	shalt  }
0x81: {  	_ =	shalt  }
0x82: {  	_ =	shalt  }
0x83: {  	_ =	shalt  }
0x84: {  	_ =	shalt  }
0x85: {  	_ =	shalt  }
0x86: {  	_ =	shalt  }
0x87: {  	_ =	shalt  }
.Lfunc_end0:
.L_simem_size_0:
called_computation_lowered:
.L_overlay_start_0:
0x88: {  	s2 =	sld [smem:$0x3FD9]  }
0x89: {  	s3 =	sld [smem:$0x3FFE];
	_ =	sdelay $0x1  }
0x8a: {  	s1 =	srdreg.scid  }
0x8b: {  	s0 =	sand.u32 $0x1, s1  }
0x8c: {  	s17 =	sshll.u32 s0, $0xA;
	s2 =	sadd.s32 s3, s2  }
0x8d: {  	s2 =	sadd.s32 s2, s17  }
0x8e: {  	[smem:$0x3FC6] =	sst s2  }
0x8f: {  	_ = 	snop  }
0x90: {  	s2 =	sld [smem:$0x3FD0];
	(tm) =	ssettm $0x1  }
0x91: {  	s18 =	sld [smem:$0x3FFB];
	_ =	sdelay $0x3  }
0x92: {  	_ =	strace s18  }
0x93: {  	s3 =	sld [smem:$0x3FFC];
	_ =	sdelay $0x3  }
0x94: {  	_ =	strace s3  }
0x95: {  	s3 =	sld [smem:$0x3FFD];
	_ =	sdelay $0x3  }
0x96: {  	_ =	strace s3  }
0x97: {  	_ =	strace $0x8FFFFFFF  }
0x98: {  	s19 =	sld [smem:$0x3FDB];
	_ =	sdelay $0x1  }
0x99: {  	s4 =	simm.s32 $_scs_section_size  }
0x9a: {  	s5 =	simm.s32 $_size__tile_overlayer_lowered;
	s6 =	simm.s32 $_tile_overlayer_lowered  }
0x9b: {  	s22 =	simm.s32 $0x1BFF;
	s21 =	sshll.u32 s6, $0x1;
	s3 =	sadd.s32 s4, s19  }
0x9c: {  	s7 =	simm.s32 $0x0;
	s20 =	sshll.u32 s5, $0x1;
	s5 =	sadd.s32 s21, s3  }
0x9d: {  	[timem:s7], [sflag:s22] =	dma.local [hbm:s5], s20  }
0x9e: {  	_ =	swait.ge [sflag:s22], s20  }
0x9f: {  	s4 =	ssub.s32 $0x0, s20;
	[sflag:s22] =	ssyncset.done $0x0  }
0xa0: {  	[sflag:s22] =	ssyncadd.s32 s4;
	_ =	sdelay $0x1  }
0xa1: {  	s23 =	simm.s32 $0x1B8B  }
0xa2: {  	_ =	swait.ge [sflag:s23], $0x1  }
0xa3: {  	[sflag:s23] =	ssyncset.done $0x0  }
0xa4: {  	s25 =	simm.s32 $0x1B8E;
	s24 =	sld [smem:$0x3FFE];
	[sflag:s23] =	ssyncadd.s32 $0xFFFFFFFF  }
0xa5: {  	s26 =	simm.s32 $execute0_lowered;
	[smem:$0x3FD2] =	sst s25  }
0xa6: {  	s5 =	sshll.u32 s26, $0x1;
	_ =	strace $0x80000046;
	[dreg:$0x1] =	wrdreg $0xFFFFFFFF  }
0xa7: {  	s28 =	simm.s32 $_size_execute0_lowered;
	s3 =	sadd.s32 s3, s5;
	[dreg:$0x0] =	wrdreg $0x0  }
0xa8: {  	s5 =	sshll.u32 s28, $0x1;
	[dreg:$0x2] =	wrdreg s3  }
0xa9: {  	[dreg:$0x3] =	wrdreg s5  }
0xaa: {  	[dreg:$0x4] =	wrdreg $0xC0  }
0xab: {  	_ =	task [dreg:s7], $0x5FFFF  }
0xac: {  	[dreg:$0x1] =	wrdreg $0xFFFFFFFF  }
0xad: {  	[dreg:$0x0] =	wrdreg $0x60  }
0xae: {  	[dreg:$0x2] =	wrdreg s24  }
0xaf: {  	[dreg:$0x3] =	wrdreg s2  }
0xb0: {  	[dreg:$0x4] =	wrdreg $0x9  }
0xb1: {  	_ =	task.clear_ibuf [dreg:s7], $0x5FFFF;
	_ =	strace $0x90000046  }
0xb2: {  	s29 =	simm.s32 $0x9;
	_ =	strace $0x80000048  }
0xb3: {  	_ =	swait.ge [sflag:s29], $0x1  }
0xb4: {  	[sflag:s29] =	ssyncadd.s32 $0xFFFFFFFF  }
0xb5: {  	_ =	strace $0x90000048  }
0xb6: {  	_ =	sfence  }
0xb7: {  	s30 =	sld [smem:$0x0];
	_ =	sdelay $0x2  }
0xb8: {  	s31 =	sshll.u32 s1, $0xD;
	s1 =	sshrl.u32 s1, $0x2  }
0xb9: {  	s3 =	sand.u32 $0x4000, s31;
	s1 =	sadd.s32 s1, s30  }
0xba: {  	s0 =	sor.u32 s3, s0;
	s1 =	sshll.u32 s1, $0x11  }
0xbb: {  	s0 =	sor.u32 s1, s0  }
0xbc: {  	s0 =	sadd.s32 $0x8F2B, s0  }
0xbd: {  	[sflag:s0] =	ssyncadd.remote.s32 $0x1  }
0xbe: {  	_ =	sfence.sel $0xFFFF  }
0xbf: {  	[dreg:$0x0] =	wrdreg $0xFFFFFFFF;
	(pc) =	sbr.abs _section_cstart, $3  }
0xc0: {  	[dreg:$0x1] =	wrdreg $0xFFFFFFFF  }
0xc1: {  	_ =	task.clear_ibuf [dreg:s7], $0x2FFFF;
	_ =	strace $0x9FFFFFFF  }
0xc2: {  	(tm) =	ssettm $0x7FFFFFFF  }
0xc3: {  	_ =	shalt  }
tec
execute0_lowered:
.L_overlay_start_1:
0x0: {  	(tag) =	ssettag $0x1  }
0x1: {  	s9 =	rddreg [dreg:$0x0]  }
0x2: {  	s2 =	simm.s32 $0x0;
	s3 =	srdreg.scid;
	s16 =	stileid.u32  }
0x3: {  	s11 =	simm.s32 $0x8000;
	s12 =	simm.s32 $0x1;
	s13 =	simm.s32 $0x10000  }
0x4: {  	s14 =	simm.s32 $0x2;
	s15 =	simm.s32 $0x14000;
	s17 =	simm.s32 $0x5  }
0x5: {  	s18 =	simm.s32 $0x0;
	[smem:$0x7FF] =	sst s2;
	s5 =	sand.u32 $0x1, s3  }
0x6: {  	s31 =	sshll.u32 s16, $0x1;
	s4 =	sadd.s32 $0xC00, s9;
	p0 =	sne.s32 s16, $0x0  }
.Ltmp0:
0x7: {  	s16 =	simm.s32 $0x4;
	_ =	strace $0x80000047;
	(pc) =	sbr.rel .LBB2_1-.Ltmp0, $4  }
0x8: {  	s3 =	sor.u32 s5, s31;
	s7 =	ssub.s32 $0x2, s5;
	s5 =	sadd.s32 $0xF43000, s9  }
0x9: {  	s9 =	sadd.s32 $0x16E4000, s9;
	s6 =	sshll.u32 s3, $0xC;
	s8 =	sshrl.u32 s7, $0x1  }
0xa: {  	p1 =	sne.s32 s3, $0x0;
	s6 =	sadd.s32 s4, s6;
	s10 =	ssub.s32 s7, s8  }
0xb: {  	s8 =	sor.u32 $0x40, s3;
	s7 =	sadd.s32 $0x20000, s6;
	s10 =	smax.u32 s10, $0x1  }
.LBB2_11:
0xc: {  	s0 =	simm.s32 @!p0 $0x3  }
0xd: {  	_ =	swait.ge @!p0 [sflag:s0], $0x4000  }
.Ltmp1:
0xe: {  	[sflag:s0] =	ssyncset.done @!p0 $0x0;
	(pc) =	sbr.rel @!p1 .LBB2_12-.Ltmp1, $4  }
0xf: {  	[sflag:s0] =	ssyncadd.s32 @!p0 $0xFFFFC000  }
0x10: {  	_ =	swait.ge [sflag:s16], $0x4000  }
0x11: {  	[sflag:s16] =	ssyncset.done $0x0  }
0x12: {  	[sflag:s16] =	ssyncadd.s32 $0xFFFFC000  }
.LBB2_15:
0x13: {  	s18 =	sadd.s32 $0x1, s18  }
0x14: {  	p2 =	sne.s32 s18, s10  }
.Ltmp2:
0x15: {  	_ = 	snop;
	(pc) =	sbr.rel @!p2 .LBB2_16-.Ltmp2, $1  }
0x16: {  	_ =	sdelay $0x3  }
.LBB2_1:
.Ltmp3:
0x17: {  	(pc) =	sbr.rel .LBB2_2-.Ltmp3, $4  }
0x18: {  	_ = 	snop  }
0x19: {  	[tilespmem:s2], [sflag:$0x1] =	stream.linear.gather [hbm4b:s6+s2], $0x8000, $0x38;
	[tilespmem:$0x18000] =	vst v63  }
0x1a: {  	s19 =	simm.s32 $0x0  }
0x1b: {  	[tilespmem:s11], [sflag:$0x2] =	stream.linear.gather [hbm4b:s7+s2], $0x8000, $0x38;
	[tilespmem:$0x18000] =	vst v63  }
.LBB2_10:
0x1c: {  	s19 =	sadd.s32 $0x1, s19  }
0x1d: {  	p2 =	sne.s32 s19, $0x7B  }
.Ltmp4:
0x1e: {  	_ = 	snop;
	(pc) =	sbr.rel @!p2 .LBB2_11-.Ltmp4, $1  }
0x1f: {  	_ =	sdelay $0x3  }
.LBB2_2:
0x20: {  	s20 =	sand.u32 $0x1, s19;
	s21 =	sshll.u32 s19, $0x5  }
0x21: {  	p3 =	seq.s32 s20, $0x1;
	s20 =	sor.u32 s3, s21  }
0x22: {  	p2 =	sgt.u32 @!p3 s20, $0xF41  }
0x23: {  	p4 =	por p3, p2  }
.Ltmp5:
0x24: {  	_ = 	snop;
	(pc) =	sbr.rel @p4 .LBB2_6-.Ltmp5, $2  }
0x25: {  	_ =	sdelay $0x2  }
0x26: {  	p2 =	slt.u32 s19, $0x2  }
0x27: {  	_ =	swait.ge [sflag:s12], $0x8000  }
0x28: {  	[sflag:s12] =	ssyncset.done $0x0  }
0x29: {  	s22 =	simm.s32 @!p2 $0x3;
	[sflag:s12] =	ssyncadd.s32 $0xFFFF8000  }
0x2a: {  	_ =	swait.ge @!p2 [sflag:s22], $0x4000  }
0x2b: {  	[sflag:s22] =	ssyncset.done @!p2 $0x0  }
0x2c: {  	s25 =	simm.s32 $0x200;
	[sflag:s22] =	ssyncadd.s32 @!p2 $0xFFFFC000  }
0x2d: {  	v0 =	vld [tilespmem:s25+$0x180]  }
0x2e: {  	v1 =	vld [tilespmem:s25+$0xFFFFFE80]  }
0x2f: {  	v2 =	vld [tilespmem:s25+$0xFFFFFF00]  }
0x30: {  	v3 =	vld [tilespmem:s25+$0xFFFFFF80]  }
0x31: {  	v4 =	vld [tilespmem:s25+$0x0]  }
0x32: {  	v5 =	vld [tilespmem:s25+$0x80];
	v0 =	vmul.f32 $8.000000000e+00, v0  }
0x33: {  	s22 =	simm.s32 $0x10100;
	v6 =	vld [tilespmem:s25+$0x100];
	v1 =	vmul.f32 $8.000000000e+00, v1  }
0x34: {  	v7 =	vld [tilespmem:s25+$0xFFFFFE00];
	v2 =	vmul.f32 $8.000000000e+00, v2;
	[tilespmem:s22+$0xC0] =	vst v0  }
0x35: {  	[tilespmem:s22+$0xFFFFFF40] =	vst v1;
	v0 =	vmul.f32 $8.000000000e+00, v3;
	v1 =	vld [tilespmem:s25+$0x190]  }
0x36: {  	[tilespmem:s22+$0xFFFFFF80] =	vst v2;
	v2 =	vmul.f32 $8.000000000e+00, v4;
	v3 =	vld [tilespmem:s25+$0xFFFFFE90]  }
0x37: {  	v4 =	vld [tilespmem:s25+$0xFFFFFF10];
	[tilespmem:s22+$0xFFFFFFC0] =	vst v0;
	v0 =	vmul.f32 $8.000000000e+00, v5  }
0x38: {  	[tilespmem:s22+$0x0] =	vst v2;
	v2 =	vmul.f32 $8.000000000e+00, v6;
	v5 =	vld [tilespmem:s25+$0xFFFFFF90]  }
0x39: {  	v6 =	vmul.f32 $8.000000000e+00, v7;
	v7 =	vld [tilespmem:s25+$0x10];
	[tilespmem:s22+$0x40] =	vst v0  }
0x3a: {  	s23 =	simm.s32 $0x1C0;
	[tilespmem:s22+$0x80] =	vst v2;
	v0 =	vld [tilespmem:s25+$0x90];
	v1 =	vmul.f32 $8.000000000e+00, v1  }
0x3b: {  	s24 =	sor.u32 $0x50, s23;
	[tilespmem:s22+$0xFFFFFF00] =	vst v6;
	v2 =	vmul.f32 $8.000000000e+00, v3;
	v3 =	vld [tilespmem:s25+$0x110]  }
0x3c: {  	v6 =	vld [tilespmem:s25+$0xFFFFFE10];
	v4 =	vmul.f32 $8.000000000e+00, v4;
	[tilespmem:s24+$0x10000] =	vst v1  }
0x3d: {  	s26 =	simm.s32 $0xC0;
	[tilespmem:s22+$0xFFFFFF50] =	vst v2;
	v1 =	vmul.f32 $8.000000000e+00, v5;
	v2 =	vld [tilespmem:s25+$0x1A0]  }
0x3e: {  	s31 =	sor.u32 $0x50, s26;
	[tilespmem:s22+$0xFFFFFF90] =	vst v4;
	v4 =	vmul.f32 $8.000000000e+00, v7;
	v5 =	vld [tilespmem:s25+$0xFFFFFEA0]  }
0x3f: {  	s29 =	simm.s32 $0x140;
	v7 =	vld [tilespmem:s25+$0xFFFFFF20];
	[tilespmem:s31+$0x10000] =	vst v1;
	v0 =	vmul.f32 $8.000000000e+00, v0  }
0x40: {  	s0 =	sor.u32 $0x50, s29;
	[tilespmem:s22+$0x10] =	vst v4;
	v1 =	vld [tilespmem:s25+$0xFFFFFFA0];
	v3 =	vmul.f32 $8.000000000e+00, v3  }
0x41: {  	v4 =	vmul.f32 $8.000000000e+00, v6;
	v6 =	vld [tilespmem:s25+$0x20];
	[tilespmem:s0+$0x10000] =	vst v0  }
0x42: {  	v0 =	vld [tilespmem:s25+$0xA0];
	[tilespmem:s22+$0x90] =	vst v3;
	v2 =	vmul.f32 $8.000000000e+00, v2  }
0x43: {  	s1 =	sor.u32 $0x60, s23;
	[tilespmem:s22+$0xFFFFFF10] =	vst v4;
	v3 =	vmul.f32 $8.000000000e+00, v5;
	v4 =	vld [tilespmem:s25+$0x120]  }
0x44: {  	v5 =	vld [tilespmem:s25+$0xFFFFFE20];
	v7 =	vmul.f32 $8.000000000e+00, v7;
	[tilespmem:s1+$0x10000] =	vst v2  }
0x45: {  	[tilespmem:s22+$0xFFFFFF60] =	vst v3;
	v1 =	vmul.f32 $8.000000000e+00, v1;
	v3 =	vld [tilespmem:s25+$0x1B0]  }
0x46: {  	s30 =	sor.u32 $0x60, s26;
	[tilespmem:s22+$0xFFFFFFA0] =	vst v7;
	v2 =	vmul.f32 $8.000000000e+00, v6;
	v8 =	vld [tilespmem:s25+$0xFFFFFEB0]  }
0x47: {  	v6 =	vld [tilespmem:s25+$0xFFFFFF30];
	[tilespmem:s30+$0x10000] =	vst v1;
	v1 =	vmul.f32 $8.000000000e+00, v0  }
0x48: {  	s31 =	sor.u32 $0x60, s29;
	[tilespmem:s22+$0x20] =	vst v2;
	v0 =	vld [tilespmem:s25+$0xFFFFFFB0];
	v4 =	vmul.f32 $8.000000000e+00, v4  }
0x49: {  	v5 =	vmul.f32 $8.000000000e+00, v5;
	v2 =	vld [tilespmem:s25+$0x30];
	[tilespmem:s31+$0x10000] =	vst v1  }
0x4a: {  	v1 =	vld [tilespmem:s25+$0xB0];
	[tilespmem:s22+$0xA0] =	vst v4;
	v7 =	vmul.f32 $8.000000000e+00, v3  }
0x4b: {  	s28 =	sor.u32 $0x70, s26;
	s30 =	sor.u32 $0x70, s23;
	[tilespmem:s22+$0xFFFFFF20] =	vst v5;
	v3 =	vld [tilespmem:s25+$0x130];
	v5 =	vmul.f32 $8.000000000e+00, v8  }
0x4c: {  	s26 =	sor.u32 $0x70, s29;
	s24 =	simm.s32 $0x0;
	v4 =	vld [tilespmem:s25+$0xFFFFFE30];
	v6 =	vmul.f32 $8.000000000e+00, v6;
	s25 =	simm.s32 $0x600;
	[tilespmem:s30+$0x10000] =	vst v7  }
.LBB2_4:
0x4d: {  	v7 =	vld [tilespmem:s25+$0x180];
	s24 =	sadd.s32 $0x8, s24;
	[tilespmem:s22+$0xFFFFFF70] =	vst v5;
	v0 =	vmul.f32 $8.000000000e+00, v0  }
0x4e: {  	v5 =	vld [tilespmem:s25+$0xFFFFFE80];
	p4 =	slt.u32 s24, $0xF8;
	[tilespmem:s22+$0xFFFFFFB0] =	vst v6;
	v2 =	vmul.f32 $8.000000000e+00, v2  }
0x4f: {  	v6 =	vld [tilespmem:s25+$0xFFFFFF00];
	[tilespmem:s28+$0x10000] =	vst v0;
	v0 =	vmul.f32 $8.000000000e+00, v1  }
0x50: {  	v1 =	vld [tilespmem:s25+$0xFFFFFF80];
	[tilespmem:s22+$0x30] =	vst v2;
	v2 =	vmul.f32 $8.000000000e+00, v3  }
0x51: {  	v3 =	vld [tilespmem:s25+$0x0];
	v4 =	vmul.f32 $8.000000000e+00, v4;
	[tilespmem:s26+$0x10000] =	vst v0  }
0x52: {  	v0 =	vld [tilespmem:s25+$0x80];
	v7 =	vmul.f32 $8.000000000e+00, v7;
	[tilespmem:s22+$0xB0] =	vst v2  }
0x53: {  	v2 =	vmul.f32 $8.000000000e+00, v5;
	v5 =	vld [tilespmem:s25+$0x100];
	[tilespmem:s22+$0xFFFFFF30] =	vst v4;
	s22 =	sadd.s32 $0x200, s22  }
0x54: {  	v4 =	vld [tilespmem:s25+$0xFFFFFE00];
	v6 =	vmul.f32 $8.000000000e+00, v6;
	[tilespmem:s22+$0xC0] =	vst v7  }
0x55: {  	[tilespmem:s22+$0xFFFFFF40] =	vst v2;
	v1 =	vmul.f32 $8.000000000e+00, v1;
	v2 =	vld [tilespmem:s25+$0x190]  }
0x56: {  	v7 =	vld [tilespmem:s25+$0xFFFFFE90];
	[tilespmem:s22+$0xFFFFFF80] =	vst v6;
	v3 =	vmul.f32 $8.000000000e+00, v3  }
0x57: {  	v6 =	vld [tilespmem:s25+$0xFFFFFF10];
	[tilespmem:s22+$0xFFFFFFC0] =	vst v1;
	v0 =	vmul.f32 $8.000000000e+00, v0  }
0x58: {  	v1 =	vld [tilespmem:s25+$0xFFFFFF90];
	[tilespmem:s22+$0x0] =	vst v3;
	v3 =	vmul.f32 $8.000000000e+00, v5  }
0x59: {  	v4 =	vmul.f32 $8.000000000e+00, v4;
	v5 =	vld [tilespmem:s25+$0x10];
	[tilespmem:s22+$0x40] =	vst v0  }
0x5a: {  	s23 =	sadd.s32 $0x200, s23;
	v0 =	vld [tilespmem:s25+$0x90];
	[tilespmem:s22+$0x80] =	vst v3;
	v2 =	vmul.f32 $8.000000000e+00, v2  }
0x5b: {  	s29 =	sadd.s32 $0xFFFFFF80, s23;
	s28 =	sor.u32 $0x50, s23;
	s26 =	sadd.s32 $0xFFFFFF00, s23;
	[tilespmem:s22+$0xFFFFFF00] =	vst v4;
	v3 =	vmul.f32 $8.000000000e+00, v7;
	v4 =	vld [tilespmem:s25+$0x110]  }
0x5c: {  	s0 =	sor.u32 $0x50, s29;
	s30 =	sor.u32 $0x50, s26;
	s31 =	sor.u32 $0x60, s26;
	v7 =	vld [tilespmem:s25+$0xFFFFFE10];
	v6 =	vmul.f32 $8.000000000e+00, v6;
	[tilespmem:s28+$0x10000] =	vst v2  }
0x5d: {  	s1 =	sor.u32 $0x60, s29;
	s28 =	sor.u32 $0x70, s26;
	s26 =	sor.u32 $0x70, s29;
	[tilespmem:s22+$0xFFFFFF50] =	vst v3;
	v1 =	vmul.f32 $8.000000000e+00, v1;
	v2 =	vld [tilespmem:s25+$0x1A0]  }
0x5e: {  	v3 =	vld [tilespmem:s25+$0xFFFFFEA0];
	[tilespmem:s22+$0xFFFFFF90] =	vst v6;
	v5 =	vmul.f32 $8.000000000e+00, v5  }
0x5f: {  	v6 =	vld [tilespmem:s25+$0xFFFFFF20];
	[tilespmem:s30+$0x10000] =	vst v1;
	v0 =	vmul.f32 $8.000000000e+00, v0  }
0x60: {  	v1 =	vld [tilespmem:s25+$0xFFFFFFA0];
	[tilespmem:s22+$0x10] =	vst v5;
	v4 =	vmul.f32 $8.000000000e+00, v4  }
0x61: {  	v5 =	vmul.f32 $8.000000000e+00, v7;
	v7 =	vld [tilespmem:s25+$0x20];
	[tilespmem:s0+$0x10000] =	vst v0  }
0x62: {  	v0 =	vld [tilespmem:s25+$0xA0];
	[tilespmem:s22+$0x90] =	vst v4;
	v2 =	vmul.f32 $8.000000000e+00, v2  }
0x63: {  	s0 =	sor.u32 $0x60, s23;
	[tilespmem:s22+$0xFFFFFF10] =	vst v5;
	v3 =	vmul.f32 $8.000000000e+00, v3;
	v4 =	vld [tilespmem:s25+$0x120]  }
0x64: {  	v5 =	vld [tilespmem:s25+$0xFFFFFE20];
	v6 =	vmul.f32 $8.000000000e+00, v6;
	[tilespmem:s0+$0x10000] =	vst v2  }
0x65: {  	[tilespmem:s22+$0xFFFFFF60] =	vst v3;
	v1 =	vmul.f32 $8.000000000e+00, v1;
	v3 =	vld [tilespmem:s25+$0x1B0]  }
0x66: {  	v8 =	vld [tilespmem:s25+$0xFFFFFEB0];
	[tilespmem:s22+$0xFFFFFFA0] =	vst v6;
	v2 =	vmul.f32 $8.000000000e+00, v7  }
0x67: {  	v6 =	vld [tilespmem:s25+$0xFFFFFF30];
	[tilespmem:s31+$0x10000] =	vst v1;
	v1 =	vmul.f32 $8.000000000e+00, v0  }
.Ltmp6:
0x68: {  	v0 =	vld [tilespmem:s25+$0xFFFFFFB0];
	[tilespmem:s22+$0x20] =	vst v2;
	v4 =	vmul.f32 $8.000000000e+00, v4;
	(pc) =	sbr.rel @p4 .LBB2_4-.Ltmp6, $4  }
0x69: {  	v5 =	vmul.f32 $8.000000000e+00, v5;
	v2 =	vld [tilespmem:s25+$0x30];
	[tilespmem:s1+$0x10000] =	vst v1  }
0x6a: {  	v1 =	vld [tilespmem:s25+$0xB0];
	[tilespmem:s22+$0xA0] =	vst v4;
	v7 =	vmul.f32 $8.000000000e+00, v3  }
0x6b: {  	s0 =	sor.u32 $0x70, s23;
	[tilespmem:s22+$0xFFFFFF20] =	vst v5;
	v5 =	vmul.f32 $8.000000000e+00, v8;
	v3 =	vld [tilespmem:s25+$0x130]  }
0x6c: {  	v4 =	vld [tilespmem:s25+$0xFFFFFE30];
	v6 =	vmul.f32 $8.000000000e+00, v6;
	[tilespmem:s0+$0x10000] =	vst v7;
	s25 =	sadd.s32 $0x400, s25  }
0x6d: {  	[tilespmem:s22+$0xFFFFFF70] =	vst v5;
	v0 =	vmul.f32 $8.000000000e+00, v0  }
0x6e: {  	[tilespmem:s22+$0xFFFFFFB0] =	vst v6;
	v2 =	vmul.f32 $8.000000000e+00, v2  }
0x6f: {  	[tilespmem:s28+$0x10000] =	vst v0;
	v61 =	vmul.f32 $8.000000000e+00, v1  }
0x70: {  	s0 =	sadd.s32 s8, s21;
	[tilespmem:s22+$0x30] =	vst v2;
	v62 =	vmul.f32 $8.000000000e+00, v3  }
0x71: {  	p4 =	sgt.u32 s0, $0xF41;
	v63 =	vmul.f32 $8.000000000e+00, v4;
	[tilespmem:s26+$0x10000] =	vst v61  }
0x72: {  	s0 =	sshll.u32 @!p4 s0, $0xC;
	[tilespmem:s22+$0xB0] =	vst v62  }
0x73: {  	s31 =	sshll.u32 s20, $0xB;
	s1 =	simm.s32 @!p4 $0x0;
	s0 =	sadd.s32 @!p4 s4, s0;
	[tilespmem:s22+$0xFFFFFF30] =	vst v63  }
0x74: {  	[tilespmem:s1], [sflag:$0x1] =	stream.linear.gather @!p4 [hbm4b:s0+s1], $0x8000, $0x38;
	[tilespmem:$0x18000] =	vst v63  }
0x75: {  	s0 =	sadd.s32 s5, s31  }
0x76: {  	[hbm4b:s0+s2] =	stream.linear.scatter [tilespmem:s13], [sflag:$0x3], $0x4000, $0x38;
	[tilespmem:$0x18000] =	vst v63  }
.LBB2_6:
0x77: {  	p4 =	sgt.u32 s20, $0xF41  }
0x78: {  	p3 =	por p4, !p3  }
.Ltmp7:
0x79: {  	_ = 	snop;
	(pc) =	sbr.rel @p3 .LBB2_10-.Ltmp7, $1  }
0x7a: {  	_ =	sdelay $0x3  }
0x7b: {  	_ =	swait.ge [sflag:s14], $0x8000  }
0x7c: {  	[sflag:s14] =	ssyncset.done $0x0  }
0x7d: {  	s0 =	simm.s32 @!p2 $0x4;
	[sflag:s14] =	ssyncadd.s32 $0xFFFF8000  }
0x7e: {  	_ =	swait.ge @!p2 [sflag:s0], $0x4000  }
0x7f: {  	[sflag:s0] =	ssyncset.done @!p2 $0x0  }
0x80: {  	s25 =	simm.s32 $0x8200;
	[sflag:s0] =	ssyncadd.s32 @!p2 $0xFFFFC000  }
0x81: {  	v0 =	vld [tilespmem:s25+$0x180]  }
0x82: {  	v1 =	vld [tilespmem:s25+$0xFFFFFE80]  }
0x83: {  	v2 =	vld [tilespmem:s25+$0xFFFFFF00]  }
0x84: {  	v3 =	vld [tilespmem:s25+$0xFFFFFF80]  }
0x85: {  	v4 =	vld [tilespmem:s25+$0x0]  }
0x86: {  	v5 =	vld [tilespmem:s25+$0x80];
	v0 =	vmul.f32 $8.000000000e+00, v0  }
0x87: {  	s22 =	simm.s32 $0x14100;
	v6 =	vld [tilespmem:s25+$0x100];
	v1 =	vmul.f32 $8.000000000e+00, v1  }
0x88: {  	v7 =	vld [tilespmem:s25+$0xFFFFFE00];
	v2 =	vmul.f32 $8.000000000e+00, v2;
	[tilespmem:s22+$0xC0] =	vst v0  }
0x89: {  	[tilespmem:s22+$0xFFFFFF40] =	vst v1;
	v0 =	vmul.f32 $8.000000000e+00, v3;
	v1 =	vld [tilespmem:s25+$0x190]  }
0x8a: {  	[tilespmem:s22+$0xFFFFFF80] =	vst v2;
	v2 =	vmul.f32 $8.000000000e+00, v4;
	v3 =	vld [tilespmem:s25+$0xFFFFFE90]  }
0x8b: {  	v4 =	vld [tilespmem:s25+$0xFFFFFF10];
	[tilespmem:s22+$0xFFFFFFC0] =	vst v0;
	v0 =	vmul.f32 $8.000000000e+00, v5  }
0x8c: {  	[tilespmem:s22+$0x0] =	vst v2;
	v2 =	vmul.f32 $8.000000000e+00, v6;
	v5 =	vld [tilespmem:s25+$0xFFFFFF90]  }
0x8d: {  	v6 =	vmul.f32 $8.000000000e+00, v7;
	v7 =	vld [tilespmem:s25+$0x10];
	[tilespmem:s22+$0x40] =	vst v0  }
0x8e: {  	s23 =	simm.s32 $0x1C0;
	[tilespmem:s22+$0x80] =	vst v2;
	v0 =	vld [tilespmem:s25+$0x90];
	v1 =	vmul.f32 $8.000000000e+00, v1  }
0x8f: {  	s30 =	sor.u32 $0x50, s23;
	[tilespmem:s22+$0xFFFFFF00] =	vst v6;
	v2 =	vmul.f32 $8.000000000e+00, v3;
	v3 =	vld [tilespmem:s25+$0x110]  }
0x90: {  	v6 =	vld [tilespmem:s25+$0xFFFFFE10];
	v4 =	vmul.f32 $8.000000000e+00, v4;
	[tilespmem:s30+$0x14000] =	vst v1  }
0x91: {  	s0 =	simm.s32 $0xC0;
	[tilespmem:s22+$0xFFFFFF50] =	vst v2;
	v1 =	vmul.f32 $8.000000000e+00, v5;
	v2 =	vld [tilespmem:s25+$0x1A0]  }
0x92: {  	s1 =	sor.u32 $0x50, s0;
	[tilespmem:s22+$0xFFFFFF90] =	vst v4;
	v4 =	vmul.f32 $8.000000000e+00, v7;
	v5 =	vld [tilespmem:s25+$0xFFFFFEA0]  }
0x93: {  	s26 =	simm.s32 $0x140;
	v7 =	vld [tilespmem:s25+$0xFFFFFF20];
	[tilespmem:s1+$0x14000] =	vst v1;
	v0 =	vmul.f32 $8.000000000e+00, v0  }
0x94: {  	s31 =	sor.u32 $0x50, s26;
	[tilespmem:s22+$0x10] =	vst v4;
	v1 =	vld [tilespmem:s25+$0xFFFFFFA0];
	v3 =	vmul.f32 $8.000000000e+00, v3  }
0x95: {  	v4 =	vmul.f32 $8.000000000e+00, v6;
	v6 =	vld [tilespmem:s25+$0x20];
	[tilespmem:s31+$0x14000] =	vst v0  }
0x96: {  	v0 =	vld [tilespmem:s25+$0xA0];
	[tilespmem:s22+$0x90] =	vst v3;
	v2 =	vmul.f32 $8.000000000e+00, v2  }
0x97: {  	s24 =	sor.u32 $0x60, s23;
	[tilespmem:s22+$0xFFFFFF10] =	vst v4;
	v3 =	vmul.f32 $8.000000000e+00, v5;
	v4 =	vld [tilespmem:s25+$0x120]  }
0x98: {  	v5 =	vld [tilespmem:s25+$0xFFFFFE20];
	v7 =	vmul.f32 $8.000000000e+00, v7;
	[tilespmem:s24+$0x14000] =	vst v2  }
0x99: {  	[tilespmem:s22+$0xFFFFFF60] =	vst v3;
	v1 =	vmul.f32 $8.000000000e+00, v1;
	v3 =	vld [tilespmem:s25+$0x1B0]  }
0x9a: {  	s29 =	sor.u32 $0x60, s0;
	[tilespmem:s22+$0xFFFFFFA0] =	vst v7;
	v2 =	vmul.f32 $8.000000000e+00, v6;
	v8 =	vld [tilespmem:s25+$0xFFFFFEB0]  }
0x9b: {  	v6 =	vld [tilespmem:s25+$0xFFFFFF30];
	[tilespmem:s29+$0x14000] =	vst v1;
	v1 =	vmul.f32 $8.000000000e+00, v0  }
0x9c: {  	s30 =	sor.u32 $0x60, s26;
	[tilespmem:s22+$0x20] =	vst v2;
	v0 =	vld [tilespmem:s25+$0xFFFFFFB0];
	v4 =	vmul.f32 $8.000000000e+00, v4  }
0x9d: {  	v5 =	vmul.f32 $8.000000000e+00, v5;
	v2 =	vld [tilespmem:s25+$0x30];
	[tilespmem:s30+$0x14000] =	vst v1  }
0x9e: {  	v1 =	vld [tilespmem:s25+$0xB0];
	[tilespmem:s22+$0xA0] =	vst v4;
	v7 =	vmul.f32 $8.000000000e+00, v3  }
0x9f: {  	s28 =	sor.u32 $0x70, s0;
	s31 =	sor.u32 $0x70, s23;
	[tilespmem:s22+$0xFFFFFF20] =	vst v5;
	v3 =	vld [tilespmem:s25+$0x130];
	v5 =	vmul.f32 $8.000000000e+00, v8  }
0xa0: {  	s26 =	sor.u32 $0x70, s26;
	s24 =	simm.s32 $0x0;
	v4 =	vld [tilespmem:s25+$0xFFFFFE30];
	v6 =	vmul.f32 $8.000000000e+00, v6;
	s25 =	simm.s32 $0x8600;
	[tilespmem:s31+$0x14000] =	vst v7  }
.LBB2_8:
0xa1: {  	v7 =	vld [tilespmem:s25+$0x180];
	s24 =	sadd.s32 $0x8, s24;
	[tilespmem:s22+$0xFFFFFF70] =	vst v5;
	v0 =	vmul.f32 $8.000000000e+00, v0  }
0xa2: {  	v5 =	vld [tilespmem:s25+$0xFFFFFE80];
	p2 =	slt.u32 s24, $0xF8;
	[tilespmem:s22+$0xFFFFFFB0] =	vst v6;
	v2 =	vmul.f32 $8.000000000e+00, v2  }
0xa3: {  	v6 =	vld [tilespmem:s25+$0xFFFFFF00];
	[tilespmem:s28+$0x14000] =	vst v0;
	v0 =	vmul.f32 $8.000000000e+00, v1  }
0xa4: {  	v1 =	vld [tilespmem:s25+$0xFFFFFF80];
	[tilespmem:s22+$0x30] =	vst v2;
	v2 =	vmul.f32 $8.000000000e+00, v3  }
0xa5: {  	v3 =	vld [tilespmem:s25+$0x0];
	v4 =	vmul.f32 $8.000000000e+00, v4;
	[tilespmem:s26+$0x14000] =	vst v0  }
0xa6: {  	v0 =	vld [tilespmem:s25+$0x80];
	v7 =	vmul.f32 $8.000000000e+00, v7;
	[tilespmem:s22+$0xB0] =	vst v2  }
0xa7: {  	v2 =	vmul.f32 $8.000000000e+00, v5;
	v5 =	vld [tilespmem:s25+$0x100];
	[tilespmem:s22+$0xFFFFFF30] =	vst v4;
	s22 =	sadd.s32 $0x200, s22  }
0xa8: {  	v4 =	vld [tilespmem:s25+$0xFFFFFE00];
	v6 =	vmul.f32 $8.000000000e+00, v6;
	[tilespmem:s22+$0xC0] =	vst v7  }
0xa9: {  	[tilespmem:s22+$0xFFFFFF40] =	vst v2;
	v1 =	vmul.f32 $8.000000000e+00, v1;
	v2 =	vld [tilespmem:s25+$0x190]  }
0xaa: {  	v7 =	vld [tilespmem:s25+$0xFFFFFE90];
	[tilespmem:s22+$0xFFFFFF80] =	vst v6;
	v3 =	vmul.f32 $8.000000000e+00, v3  }
0xab: {  	v6 =	vld [tilespmem:s25+$0xFFFFFF10];
	[tilespmem:s22+$0xFFFFFFC0] =	vst v1;
	v0 =	vmul.f32 $8.000000000e+00, v0  }
0xac: {  	v1 =	vld [tilespmem:s25+$0xFFFFFF90];
	[tilespmem:s22+$0x0] =	vst v3;
	v3 =	vmul.f32 $8.000000000e+00, v5  }
0xad: {  	v4 =	vmul.f32 $8.000000000e+00, v4;
	v5 =	vld [tilespmem:s25+$0x10];
	[tilespmem:s22+$0x40] =	vst v0  }
0xae: {  	s23 =	sadd.s32 $0x200, s23;
	v0 =	vld [tilespmem:s25+$0x90];
	[tilespmem:s22+$0x80] =	vst v3;
	v2 =	vmul.f32 $8.000000000e+00, v2  }
0xaf: {  	s0 =	sadd.s32 $0xFFFFFF00, s23;
	s1 =	sadd.s32 $0xFFFFFF80, s23;
	s26 =	sor.u32 $0x50, s23;
	[tilespmem:s22+$0xFFFFFF00] =	vst v4;
	v3 =	vmul.f32 $8.000000000e+00, v7;
	v4 =	vld [tilespmem:s25+$0x110]  }
0xb0: {  	s29 =	sor.u32 $0x50, s0;
	s30 =	sor.u32 $0x60, s0;
	s31 =	sor.u32 $0x50, s1;
	v7 =	vld [tilespmem:s25+$0xFFFFFE10];
	v6 =	vmul.f32 $8.000000000e+00, v6;
	[tilespmem:s26+$0x14000] =	vst v2  }
0xb1: {  	s28 =	sor.u32 $0x70, s0;
	s0 =	sor.u32 $0x60, s1;
	s26 =	sor.u32 $0x70, s1;
	[tilespmem:s22+$0xFFFFFF50] =	vst v3;
	v1 =	vmul.f32 $8.000000000e+00, v1;
	v2 =	vld [tilespmem:s25+$0x1A0]  }
0xb2: {  	v3 =	vld [tilespmem:s25+$0xFFFFFEA0];
	[tilespmem:s22+$0xFFFFFF90] =	vst v6;
	v5 =	vmul.f32 $8.000000000e+00, v5  }
0xb3: {  	v6 =	vld [tilespmem:s25+$0xFFFFFF20];
	[tilespmem:s29+$0x14000] =	vst v1;
	v0 =	vmul.f32 $8.000000000e+00, v0  }
0xb4: {  	v1 =	vld [tilespmem:s25+$0xFFFFFFA0];
	[tilespmem:s22+$0x10] =	vst v5;
	v4 =	vmul.f32 $8.000000000e+00, v4  }
0xb5: {  	v5 =	vmul.f32 $8.000000000e+00, v7;
	v7 =	vld [tilespmem:s25+$0x20];
	[tilespmem:s31+$0x14000] =	vst v0  }
0xb6: {  	v0 =	vld [tilespmem:s25+$0xA0];
	[tilespmem:s22+$0x90] =	vst v4;
	v2 =	vmul.f32 $8.000000000e+00, v2  }
0xb7: {  	s1 =	sor.u32 $0x60, s23;
	[tilespmem:s22+$0xFFFFFF10] =	vst v5;
	v3 =	vmul.f32 $8.000000000e+00, v3;
	v4 =	vld [tilespmem:s25+$0x120]  }
0xb8: {  	v5 =	vld [tilespmem:s25+$0xFFFFFE20];
	v6 =	vmul.f32 $8.000000000e+00, v6;
	[tilespmem:s1+$0x14000] =	vst v2  }
0xb9: {  	[tilespmem:s22+$0xFFFFFF60] =	vst v3;
	v1 =	vmul.f32 $8.000000000e+00, v1;
	v3 =	vld [tilespmem:s25+$0x1B0]  }
0xba: {  	v8 =	vld [tilespmem:s25+$0xFFFFFEB0];
	[tilespmem:s22+$0xFFFFFFA0] =	vst v6;
	v2 =	vmul.f32 $8.000000000e+00, v7  }
0xbb: {  	v6 =	vld [tilespmem:s25+$0xFFFFFF30];
	[tilespmem:s30+$0x14000] =	vst v1;
	v1 =	vmul.f32 $8.000000000e+00, v0  }
.Ltmp8:
0xbc: {  	v0 =	vld [tilespmem:s25+$0xFFFFFFB0];
	[tilespmem:s22+$0x20] =	vst v2;
	v4 =	vmul.f32 $8.000000000e+00, v4;
	(pc) =	sbr.rel @p2 .LBB2_8-.Ltmp8, $4  }
0xbd: {  	v5 =	vmul.f32 $8.000000000e+00, v5;
	v2 =	vld [tilespmem:s25+$0x30];
	[tilespmem:s0+$0x14000] =	vst v1  }
0xbe: {  	v1 =	vld [tilespmem:s25+$0xB0];
	[tilespmem:s22+$0xA0] =	vst v4;
	v7 =	vmul.f32 $8.000000000e+00, v3  }
0xbf: {  	s0 =	sor.u32 $0x70, s23;
	[tilespmem:s22+$0xFFFFFF20] =	vst v5;
	v5 =	vmul.f32 $8.000000000e+00, v8;
	v3 =	vld [tilespmem:s25+$0x130]  }
0xc0: {  	v4 =	vld [tilespmem:s25+$0xFFFFFE30];
	v6 =	vmul.f32 $8.000000000e+00, v6;
	[tilespmem:s0+$0x14000] =	vst v7;
	s25 =	sadd.s32 $0x400, s25  }
0xc1: {  	[tilespmem:s22+$0xFFFFFF70] =	vst v5;
	v0 =	vmul.f32 $8.000000000e+00, v0  }
0xc2: {  	[tilespmem:s22+$0xFFFFFFB0] =	vst v6;
	v2 =	vmul.f32 $8.000000000e+00, v2  }
0xc3: {  	[tilespmem:s28+$0x14000] =	vst v0;
	v61 =	vmul.f32 $8.000000000e+00, v1  }
0xc4: {  	s0 =	sadd.s32 s8, s21;
	[tilespmem:s22+$0x30] =	vst v2;
	v62 =	vmul.f32 $8.000000000e+00, v3  }
0xc5: {  	p2 =	sgt.u32 s0, $0xF41;
	v63 =	vmul.f32 $8.000000000e+00, v4;
	[tilespmem:s26+$0x14000] =	vst v61  }
.Ltmp9:
0xc6: {  	s31 =	sshll.u32 s20, $0xB;
	s0 =	sshll.u32 @!p2 s0, $0xC;
	[tilespmem:s22+$0xB0] =	vst v62;
	(pc) =	sbr.rel .LBB2_10-.Ltmp9, $4  }
0xc7: {  	s1 =	simm.s32 @!p2 $0x0;
	s21 =	simm.s32 @!p2 $0x8000;
	s0 =	sadd.s32 @!p2 s4, s0;
	[tilespmem:s22+$0xFFFFFF30] =	vst v63  }
0xc8: {  	[tilespmem:s21], [sflag:$0x2] =	stream.linear.gather @!p2 [hbm4b:s0+s1], $0x8000, $0x38;
	[tilespmem:$0x18000] =	vst v63  }
0xc9: {  	s0 =	sadd.s32 s5, s31  }
0xca: {  	[hbm4b:s0+s2] =	stream.linear.scatter [tilespmem:s15], [sflag:$0x4], $0x4000, $0x38;
	[tilespmem:$0x18000] =	vst v63  }
.LBB2_12:
0xcb: {  	s0 =	simm.s32 $0x0;
	s1 =	rddreg [dreg:$0x1]  }
0xcc: {  	[tilespmem:s13], [sflag:$0x5] =	stream.linear.gather [hbm4b:s1+s0], $0x1000, $0x38;
	[tilespmem:$0x18000] =	vst v63  }
0xcd: {  	_ =	swait.ge [sflag:s17], $0x1000  }
0xce: {  	[sflag:s17] =	ssyncset.done $0x0  }
0xcf: {  	s19 =	simm.s32 $0x0;
	[sflag:s17] =	ssyncadd.s32 $0xFFFFF000  }
0xd0: {  	v3 =	vld [tilespmem:s19+$0x10000]  }
0xd1: {  	v5 =	vld [tilespmem:s19+$0x10010]  }
0xd2: {  	v4 =	vld [tilespmem:s19+$0x10020]  }
0xd3: {  	v2 =	vld [tilespmem:s19+$0x10030]  }
0xd4: {  	v0 =	vld [tilespmem:s19+$0x10040]  }
0xd5: {  	v1 =	vld [tilespmem:s19+$0x10050];
	v6 =	vmul.f32 $8.000000000e+00, v3  }
0xd6: {  	s20 =	simm.s32 $0x200;
	v5 =	vmul.f32 $8.000000000e+00, v5;
	v3 =	vld [tilespmem:s19+$0x10060]  }
.LBB2_13:
0xd7: {  	s0 =	sshra.s32 s20, $0x2;
	p2 =	sne.s32 s20, $0x3E00;
	[tilespmem:s19+$0x10000] =	vst v6;
	v4 =	vmul.f32 $8.000000000e+00, v4;
	v6 =	vld [tilespmem:s19+$0x10070]  }
0xd8: {  	v7 =	vld [tilespmem:s0+$0x10000];
	[tilespmem:s19+$0x10010] =	vst v5;
	v2 =	vmul.f32 $8.000000000e+00, v2  }
0xd9: {  	v5 =	vld [tilespmem:s0+$0x10010];
	[tilespmem:s19+$0x10020] =	vst v4;
	v0 =	vmul.f32 $8.000000000e+00, v0  }
.Ltmp10:
0xda: {  	v4 =	vld [tilespmem:s0+$0x10020];
	[tilespmem:s19+$0x10030] =	vst v2;
	v1 =	vmul.f32 $8.000000000e+00, v1;
	(pc) =	sbr.rel @p2 .LBB2_13-.Ltmp10, $4  }
0xdb: {  	v2 =	vld [tilespmem:s0+$0x10030];
	[tilespmem:s19+$0x10040] =	vst v0;
	v3 =	vmul.f32 $8.000000000e+00, v3  }
0xdc: {  	v0 =	vld [tilespmem:s0+$0x10040];
	[tilespmem:s19+$0x10050] =	vst v1;
	v8 =	vmul.f32 $8.000000000e+00, v6  }
0xdd: {  	v6 =	vmul.f32 $8.000000000e+00, v7;
	v1 =	vld [tilespmem:s0+$0x10050];
	[tilespmem:s19+$0x10060] =	vst v3  }
0xde: {  	s20 =	sadd.s32 $0x200, s20;
	v5 =	vmul.f32 $8.000000000e+00, v5;
	v3 =	vld [tilespmem:s0+$0x10060];
	[tilespmem:s19+$0x10070] =	vst v8;
	s19 =	smov.u32 s0  }
0xdf: {  	[tilespmem:s19+$0x10000] =	vst v6;
	v4 =	vmul.f32 $8.000000000e+00, v4;
	v61 =	vld [tilespmem:s19+$0x10070]  }
0xe0: {  	[tilespmem:s19+$0x10010] =	vst v5;
	v2 =	vmul.f32 $8.000000000e+00, v2  }
0xe1: {  	[tilespmem:s19+$0x10020] =	vst v4;
	v0 =	vmul.f32 $8.000000000e+00, v0  }
0xe2: {  	[tilespmem:s19+$0x10030] =	vst v2;
	v1 =	vmul.f32 $8.000000000e+00, v1  }
0xe3: {  	[tilespmem:s19+$0x10040] =	vst v0;
	v62 =	vmul.f32 $8.000000000e+00, v3  }
0xe4: {  	[tilespmem:s19+$0x10050] =	vst v1;
	v63 =	vmul.f32 $8.000000000e+00, v61  }
0xe5: {  	[tilespmem:s19+$0x10060] =	vst v62  }
.Ltmp11:
0xe6: {  	[tilespmem:s19+$0x10070] =	vst v63;
	(pc) =	sbr.rel .LBB2_15-.Ltmp11, $4  }
0xe7: {  	[hbm4b:s9+s2] =	stream.linear.scatter [tilespmem:s13], [sflag:$0x5], $0x1000, $0x38;
	[tilespmem:$0x18000] =	vst v63  }
0xe8: {  	_ =	swait.ge [sflag:s17], $0x1000  }
0xe9: {  	[sflag:s17] =	ssyncset.done $0x0  }
0xea: {  	[sflag:s17] =	ssyncadd.s32 $0xFFFFF000  }
.LBB2_16:
0xeb: {  	_ =	sfence.sel $0x180000  }
0xec: {  	[bflag:$0x0] =	sbarrier.arrive $0xFFFF  }
0xed: {  	_ =	strace $0x90000047  }
0xee: {  	[bflag:$0x2] =	sbarrier.arrive $0xFFFF  }
0xef: {  	s0 =	rddreg [dreg:$0x2]  }
0xf0: {  	s0 =	sadd.s32 @!p0 $0x100000, s0  }
0xf1: {  	[sflag:s0] =	ssyncadd.tile.s32 @!p0 $0x1;
	_ =	shalt  }
.Lfunc_end2:
_tile_overlayer_lowered:
.L_overlay_start_2:
0xf2: {  	(tag) =	ssettag $0x2  }
0xf3: {  	s0 =	rddreg [dreg:$0x0];
	s2 =	stileid.u32  }
0xf4: {  	s1 =	rddreg [dreg:$0x1];
	p0 =	sne.s32 s2, $0x0  }
0xf5: {  	s3 =	rddreg [dreg:$0x2];
	[bflag:$0x3] =	sbarrier.arrive $0xFFFF;
	s2 =	simm.s32 @!p0 $0x1C05  }
0xf6: {  	[timem:s3], [sflag:s2] =	dma.local @!p0 [hbm:s0], s1  }
0xf7: {  	s0 =	simm.s32 @!p0 $0x5  }
0xf8: {  	_ =	swait.ge @!p0 [sflag:s0], s1  }
0xf9: {  	s1 =	ssub.s32 @!p0 $0x0, s1;
	[sflag:s0] =	ssyncset.done @!p0 $0x0  }
0xfa: {  	[sflag:s0] =	ssyncadd.s32 @!p0 s1  }
0xfb: {  	[bflag:$0x3] =	sbarrier.arrive $0xFFFF  }
0xfc: {  	_ =	shalt  }

// kernel: _embed.7.cloned.1.call-start
scs
__scs_entry_jumppad:
0x0: {  	(pc) =	sbr.rel $0x88, $3  }
0x1: {  	(tag) =	ssettag $0x0;
	lr =	simm.s32 $0x1  }
0x2: {  	[smem:$0x3F9F] =	sst lr;
	_ =	strace $0xD0000000  }
0x3: {  	_ = 	snop  }
0x4: {  	_ = 	snop  }
0x5: {  	_ = 	snop  }
0x6: {  	_ = 	snop  }
0x7: {  	_ = 	snop  }
__scs_overlays_trampoline_lowered:
0x8: {  	[smem:$0x3FAE] =	sst s0  }
0x9: {  	[smem:$0x3FAF] =	sst s1  }
0xa: {  	[smem:$0x3FB0] =	sst s2  }
0xb: {  	[smem:$0x3FB1] =	sst s3  }
0xc: {  	[smem:$0x3FB2] =	sst s4  }
0xd: {  	[smem:$0x3FB3] =	sst s5  }
0xe: {  	[smem:$0x3FB4] =	sst s6  }
0xf: {  	[smem:$0x3FB5] =	sst s7  }
0x10: {  	[smem:$0x3FB6] =	sst s8  }
0x11: {  	[smem:$0x3FB7] =	sst s9;
	s0 =	simm.s32 @!p0 $0x0  }
0x12: {  	s1 =	sld [smem:$0x3F9D];
	s0 =	simm.s32 @p0 $0x1  }
0x13: {  	[smem:$0x3FB8] =	sst s0;
	s0 =	simm.s32 @!p1 $0x0  }
0x14: {  	s2 =	sld [smem:$0x3F9C];
	s0 =	simm.s32 @p1 $0x1  }
0x15: {  	[smem:$0x3FB9] =	sst s0;
	s0 =	simm.s32 @!p2 $0x0  }
0x16: {  	s3 =	sld [smem:$0x3FDB];
	s0 =	simm.s32 @p2 $0x1  }
0x17: {  	s4 =	simm.s32 $0x1BF5;
	[smem:$0x3FBB] =	sst s0  }
0x18: {  	s0 =	sld [smem:$0x3F9E];
	_ =	swait.ge [sflag:s4], $0x0  }
0x19: {  	s7 =	sld [smem:$0x3F9F]  }
0x1a: {  	s8 =	sadd.s32 $0xFFFFE003, lr  }
0x1b: {  	s9 =	sadd.s32 $0xFFFFFEF7, lr;
	s5 =	simm.s32 $0xFFFFFFFF;
	p2 =	slt.u32 s8, $0xFFFFF086  }
0x1c: {  	p1 =	slt.u32 s9, $0xF7A;
	s5 =	simm.s32 @!p2 $0x0  }
0x1d: {  	s5 =	simm.s32 @p1 $0x1;
	p0 =	seq.s32 s7, s2  }
0x1e: {  	s7 =	smul.u32 @!p0 $0xF7A, s2;
	p2 =	seq.s32 @!p0 s5, $0x0  }
0x1f: {  	s9 =	smul.u32 $0xF7A, s1;
	s8 =	simm.s32 @!p0 $0x1BF5;
	p2 =	por !p2, p0  }
0x20: {  	[sflag:s8] =	ssyncset.s32 @!p0 $0xFFFFF086;
	s6 =	sadd.s32 @!p0 s3, s7;
	s7 =	simm.s32 @!p0 $0x108  }
0x21: {  	s3 =	sadd.s32 s3, s9;
	s6 =	sadd.s32 @!p0 $0x88, s6;
	s7 =	simm.s32 @p2 $0x1082  }
0x22: {  	[simem:s7], [sflag:s8] =	dma.local @!p0 [hbm:s6], $0xF7A  }
0x23: {  	s9 =	sor.u32 $0xD0000000, s2;
	s6 =	simm.s32 $0x108;
	_ =	swait.ge @!p0 [sflag:s8], $0x0  }
0x24: {  	s3 =	sadd.s32 $0x88, s3;
	s6 =	simm.s32 @!p1 $0x1082;
	[sflag:s4] =	ssyncset.s32 $0xFFFFF086  }
0x25: {  	[simem:s6], [sflag:s4] =	dma.local [hbm:s3], $0xF7A  }
0x26: {  	[smem:$0x3F9F] =	sst s1;
	(tag) =	ssettag s2;
	_ =	strace s9  }
0x27: {  	s1 =	sld [smem:$0x3FAF]  }
0x28: {  	s2 =	sld [smem:$0x3FB0]  }
0x29: {  	s4 =	sld [smem:$0x3FB2]  }
0x2a: {  	p0 =	seq.s32 s5, $0x0;
	s5 =	sld [smem:$0x3FB3]  }
0x2b: {  	s6 =	sld [smem:$0x3FB4]  }
0x2c: {  	s7 =	sld [smem:$0x3FB5]  }
0x2d: {  	s3 =	simm.s32 $0x108;
	s8 =	sld [smem:$0x3FB6]  }
0x2e: {  	s3 =	simm.s32 @!p0 $0x1082;
	s9 =	sld [smem:$0x3FB7]  }
0x2f: {  	lr =	sadd.s32 s0, s3;
	s0 =	sld [smem:$0x3FAE]  }
0x30: {  	s3 =	sld [smem:$0x3FB1]  }
0x31: {  	[smem:$0x3FBA] =	sst s10  }
0x32: {  	s10 =	sld [smem:$0x3FB8];
	_ =	sdelay $0x3  }
0x33: {  	p0 =	seq.s32 s10, $0x1;
	s10 =	sld [smem:$0x3FBA];
	_ =	sdelay $0x3  }
0x34: {  	[smem:$0x3FBA] =	sst s10  }
0x35: {  	s10 =	sld [smem:$0x3FB9];
	_ =	sdelay $0x3  }
0x36: {  	p1 =	seq.s32 s10, $0x1;
	s10 =	sld [smem:$0x3FBA];
	_ =	sdelay $0x3  }
0x37: {  	[smem:$0x3FBA] =	sst s10  }
0x38: {  	s10 =	sld [smem:$0x3FBB]  }
0x39: {  	_ = 	snop;
	(pc) =	sbr.ind lr, $3  }
0x3a: {  	_ = 	snop  }
0x3b: {  	_ = 	snop  }
0x3c: {  	p2 =	seq.s32 s10, $0x1;
	s10 =	sld [smem:$0x3FBA]  }
0x3d: {  	_ =	shalt  }
0x3e: {  	_ =	shalt  }
0x3f: {  	_ =	shalt  }
0x40: {  	_ =	shalt  }
0x41: {  	_ =	shalt  }
0x42: {  	_ =	shalt  }
0x43: {  	_ =	shalt  }
0x44: {  	_ =	shalt  }
0x45: {  	_ =	shalt  }
0x46: {  	_ =	shalt  }
0x47: {  	_ =	shalt  }
0x48: {  	_ =	shalt  }
0x49: {  	_ =	shalt  }
0x4a: {  	_ =	shalt  }
0x4b: {  	_ =	shalt  }
0x4c: {  	_ =	shalt  }
0x4d: {  	_ =	shalt  }
0x4e: {  	_ =	shalt  }
0x4f: {  	_ =	shalt  }
0x50: {  	_ =	shalt  }
0x51: {  	_ =	shalt  }
0x52: {  	_ =	shalt  }
0x53: {  	_ =	shalt  }
0x54: {  	_ =	shalt  }
0x55: {  	_ =	shalt  }
0x56: {  	_ =	shalt  }
0x57: {  	_ =	shalt  }
0x58: {  	_ =	shalt  }
0x59: {  	_ =	shalt  }
0x5a: {  	_ =	shalt  }
0x5b: {  	_ =	shalt  }
0x5c: {  	_ =	shalt  }
0x5d: {  	_ =	shalt  }
0x5e: {  	_ =	shalt  }
0x5f: {  	_ =	shalt  }
0x60: {  	_ =	shalt  }
0x61: {  	_ =	shalt  }
0x62: {  	_ =	shalt  }
0x63: {  	_ =	shalt  }
0x64: {  	_ =	shalt  }
0x65: {  	_ =	shalt  }
0x66: {  	_ =	shalt  }
0x67: {  	_ =	shalt  }
0x68: {  	_ =	shalt  }
0x69: {  	_ =	shalt  }
0x6a: {  	_ =	shalt  }
0x6b: {  	_ =	shalt  }
0x6c: {  	_ =	shalt  }
0x6d: {  	_ =	shalt  }
0x6e: {  	_ =	shalt  }
0x6f: {  	_ =	shalt  }
0x70: {  	_ =	shalt  }
0x71: {  	_ =	shalt  }
0x72: {  	_ =	shalt  }
0x73: {  	_ =	shalt  }
0x74: {  	_ =	shalt  }
0x75: {  	_ =	shalt  }
0x76: {  	_ =	shalt  }
0x77: {  	_ =	shalt  }
0x78: {  	_ =	shalt  }
0x79: {  	_ =	shalt  }
0x7a: {  	_ =	shalt  }
0x7b: {  	_ =	shalt  }
0x7c: {  	_ =	shalt  }
0x7d: {  	_ =	shalt  }
0x7e: {  	_ =	shalt  }
0x7f: {  	_ =	shalt  }
0x80: {  	_ =	shalt  }
0x81: {  	_ =	shalt  }
0x82: {  	_ =	shalt  }
0x83: {  	_ =	shalt  }
0x84: {  	_ =	shalt  }
0x85: {  	_ =	shalt  }
0x86: {  	_ =	shalt  }
0x87: {  	_ =	shalt  }
.Lfunc_end0:
.L_simem_size_0:
called_computation.1_lowered:
.L_overlay_start_0:
0x88: {  	s2 =	sld [smem:$0x3FD9]  }
0x89: {  	s3 =	sld [smem:$0x3FFE];
	_ =	sdelay $0x1  }
0x8a: {  	s1 =	srdreg.scid  }
0x8b: {  	s0 =	sand.u32 $0x1, s1  }
0x8c: {  	s17 =	sshll.u32 s0, $0xA;
	s2 =	sadd.s32 s3, s2  }
0x8d: {  	s2 =	sadd.s32 s2, s17  }
0x8e: {  	[smem:$0x3FC6] =	sst s2  }
0x8f: {  	_ = 	snop  }
0x90: {  	s2 =	sld [smem:$0x3FC9]  }
0x91: {  	s18 =	sld [smem:$0x3FD0];
	(tm) =	ssettm $0x1  }
0x92: {  	s4 =	sld [smem:$0x3FFB];
	_ =	sdelay $0x3  }
0x93: {  	_ =	strace s4  }
0x94: {  	s4 =	sld [smem:$0x3FFC];
	_ =	sdelay $0x3  }
0x95: {  	_ =	strace s4  }
0x96: {  	s4 =	sld [smem:$0x3FFD];
	_ =	sdelay $0x3  }
0x97: {  	_ =	strace s4  }
0x98: {  	_ =	strace $0x8FFFFFFF  }
0x99: {  	s19 =	sld [smem:$0x3FDB];
	_ =	sdelay $0x1  }
0x9a: {  	s5 =	simm.s32 $_scs_section_size  }
0x9b: {  	s6 =	simm.s32 $_size__tile_overlayer_lowered;
	s7 =	simm.s32 $_tile_overlayer_lowered  }
0x9c: {  	s22 =	simm.s32 $0x1BFF;
	s21 =	sshll.u32 s7, $0x1;
	s4 =	sadd.s32 s5, s19  }
0x9d: {  	s8 =	simm.s32 $0x0;
	s20 =	sshll.u32 s6, $0x1;
	s6 =	sadd.s32 s21, s4  }
0x9e: {  	[timem:s8], [sflag:s22] =	dma.local [hbm:s6], s20  }
0x9f: {  	_ =	swait.ge [sflag:s22], s20  }
0xa0: {  	s5 =	ssub.s32 $0x0, s20;
	[sflag:s22] =	ssyncset.done $0x0  }
0xa1: {  	[sflag:s22] =	ssyncadd.s32 s5;
	_ =	sdelay $0x1  }
0xa2: {  	s23 =	simm.s32 $0x1B8B  }
0xa3: {  	_ =	swait.ge [sflag:s23], $0x1  }
0xa4: {  	[sflag:s23] =	ssyncset.done $0x0  }
0xa5: {  	s25 =	simm.s32 $0x1B8E;
	s24 =	sld [smem:$0x3FFE];
	[sflag:s23] =	ssyncadd.s32 $0xFFFFFFFF  }
0xa6: {  	s26 =	simm.s32 $execute0_lowered;
	[smem:$0x3FD2] =	sst s25  }
0xa7: {  	s6 =	sshll.u32 s26, $0x1;
	_ =	strace $0x80000049;
	[dreg:$0x1] =	wrdreg $0xFFFFFFFF  }
0xa8: {  	s28 =	simm.s32 $_size_execute0_lowered;
	s4 =	sadd.s32 s4, s6;
	[dreg:$0x0] =	wrdreg $0x0  }
0xa9: {  	s6 =	sshll.u32 s28, $0x1;
	[dreg:$0x2] =	wrdreg s4  }
0xaa: {  	[dreg:$0x3] =	wrdreg s6  }
0xab: {  	[dreg:$0x4] =	wrdreg $0xC0  }
0xac: {  	_ =	task [dreg:s8], $0x5FFFF  }
0xad: {  	[dreg:$0x1] =	wrdreg $0xFFFFFFFF  }
0xae: {  	[dreg:$0x0] =	wrdreg $0x60  }
0xaf: {  	[dreg:$0x2] =	wrdreg s24  }
0xb0: {  	[dreg:$0x3] =	wrdreg s2  }
0xb1: {  	[dreg:$0x4] =	wrdreg s18  }
0xb2: {  	[dreg:$0x5] =	wrdreg $0x9  }
0xb3: {  	_ =	task.clear_ibuf [dreg:s8], $0x6FFFF;
	_ =	strace $0x90000049  }
0xb4: {  	s29 =	simm.s32 $0x9;
	_ =	strace $0x8000004B  }
0xb5: {  	_ =	swait.ge [sflag:s29], $0x1  }
0xb6: {  	[sflag:s29] =	ssyncadd.s32 $0xFFFFFFFF  }
0xb7: {  	_ =	strace $0x9000004B  }
0xb8: {  	_ =	sfence  }
0xb9: {  	s30 =	sld [smem:$0x0];
	_ =	sdelay $0x2  }
0xba: {  	s31 =	sshll.u32 s1, $0xD;
	s1 =	sshrl.u32 s1, $0x2  }
0xbb: {  	s3 =	sand.u32 $0x4000, s31;
	s1 =	sadd.s32 s1, s30  }
0xbc: {  	s0 =	sor.u32 s3, s0;
	s1 =	sshll.u32 s1, $0x11  }
0xbd: {  	s0 =	sor.u32 s1, s0  }
0xbe: {  	s0 =	sadd.s32 $0x8F2B, s0  }
0xbf: {  	[sflag:s0] =	ssyncadd.remote.s32 $0x1  }
0xc0: {  	_ =	sfence.sel $0xFFFF  }
0xc1: {  	[dreg:$0x0] =	wrdreg $0xFFFFFFFF;
	(pc) =	sbr.abs _section_cstart, $3  }
0xc2: {  	[dreg:$0x1] =	wrdreg $0xFFFFFFFF  }
0xc3: {  	_ =	task.clear_ibuf [dreg:s8], $0x2FFFF;
	_ =	strace $0x9FFFFFFF  }
0xc4: {  	(tm) =	ssettm $0x7FFFFFFF  }
0xc5: {  	_ =	shalt  }
tec
execute0_lowered:
.L_overlay_start_1:
0x0: {  	(tag) =	ssettag $0x1  }
0x1: {  	s3 =	rddreg [dreg:$0x0];
	s1 =	srdreg.scid  }
0x2: {  	s0 =	stileid.u32;
	s4 =	rddreg [dreg:$0x1]  }
0x3: {  	s9 =	rddreg [dreg:$0x2];
	s2 =	simm.s32 $0x0;
	s14 =	simm.s32 $0x1  }
0x4: {  	s15 =	simm.s32 $0x40;
	s16 =	simm.s32 $0x3;
	s12 =	smul.u32 $0xC8000, s0  }
0x5: {  	s17 =	simm.s32 $0x2;
	s7 =	sand.u32 $0x1, s1;
	s24 =	smul.u32 $0x640000, s0  }
0x6: {  	s18 =	simm.s32 $0x4;
	s22 =	sshll.u32 s0, $0x1;
	s26 =	smul.u32 $0x320000, s7  }
0x7: {  	s1 =	rddreg [dreg:$0x3];
	s5 =	sor.u32 s7, s22;
	s13 =	smul.u32 $0x64000, s7  }
0x8: {  	s19 =	simm.s32 $0x0;
	[smem:$0x7FF] =	sst s2;
	s6 =	smul.u32 $0xC80, s5  }
0x9: {  	s3 =	sadd.s32 $0xF43000, s3;
	s10 =	ssub.s32 $0x2, s7;
	s8 =	smul.u32 $0x320000, s5  }
0xa: {  	_ =	strace $0x8000004A;
	s11 =	smul.u32 $0x64000, s5;
	s23 =	sshrl.u32 s10, $0x1  }
0xb: {  	s29 =	sadd.s32 s12, s9;
	s12 =	simm.s32 $0x6400;
	s5 =	ssub.s32 s10, s23  }
0xc: {  	s30 =	sadd.s32 s13, s29;
	s10 =	simm.s32 $0x5;
	s13 =	simm.s32 $0x8400  }
0xd: {  	s8 =	sshrl.u32 s8, $0x3;
	s4 =	sadd.s32 s4, s6;
	s5 =	smax.u32 s5, $0x1  }
0xe: {  	s28 =	sadd.s32 s11, s9;
	s25 =	sadd.s32 s9, s8;
	s8 =	sadd.s32 s26, s24  }
0xf: {  	s11 =	simm.s32 $0x80;
	s7 =	sadd.s32 $0x63800, s28;
	s31 =	sshrl.u32 s8, $0x3  }
0x10: {  	s6 =	sadd.s32 $0x63000, s25;
	s8 =	sadd.s32 $0x800, s30;
	s9 =	sadd.s32 s31, s9  }
.LBB2_1:
0x11: {  	[tilespmem:s2], [sflag:$0x5] =	stream.linear.gather [hbm4b:s4+s2], $0x6400, $0x38;
	[tilespmem:$0xA400] =	vst v63  }
0x12: {  	_ =	swait.ge [sflag:s10], $0x6400  }
0x13: {  	[sflag:s10] =	ssyncset.done $0x0  }
0x14: {  	[sflag:s10] =	ssyncadd.s32 $0xFFFF9C00  }
0x15: {  	[tilespmem:s12], [sflag:$0x1] =	stream.indirect.gather [hbm4b:s3+s11], $0x40, s2, s11, $0xb8;
	[tilespmem:$0xA400] =	vst v63  }
0x16: {  	_ = 	snop  }
0x17: {  	[tilespmem:s13], [sflag:$0x2] =	stream.indirect.gather [hbm4b:s3+s11], $0x40, s11, s11, $0xb8;
	[tilespmem:$0xA400] =	vst v63  }
0x18: {  	_ =	swait.ge [sflag:s14], $0x2000  }
0x19: {  	[sflag:s14] =	ssyncset.done $0x0  }
0x1a: {  	s20 =	sadd.s32 $0x0, s9;
	[sflag:s14] =	ssyncadd.s32 $0xFFFFE000  }
0x1b: {  	[hbm4b:s20+s15] =	stream.strided.scatter [tilespmem:s12], [sflag:$0x3], $0x2000, s11, s15, $0x38;
	[tilespmem:$0xA400] =	vst v63  }
0x1c: {  	_ =	swait.ge [sflag:s16], $0x2000  }
0x1d: {  	[sflag:s16] =	ssyncset.done $0x0  }
0x1e: {  	s30 =	simm.s32 $0x100;
	[sflag:s16] =	ssyncadd.s32 $0xFFFFE000  }
0x1f: {  	[tilespmem:s12], [sflag:$0x1] =	stream.indirect.gather [hbm4b:s3+s11], $0x40, s30, s11, $0xb8;
	[tilespmem:$0xA400] =	vst v63  }
0x20: {  	_ =	swait.ge [sflag:s17], $0x2000  }
0x21: {  	[sflag:s17] =	ssyncset.done $0x0  }
0x22: {  	s31 =	sadd.s32 $0x0, s8;
	[sflag:s17] =	ssyncadd.s32 $0xFFFFE000  }
0x23: {  	[hbm4b:s31+s15] =	stream.strided.scatter [tilespmem:s13], [sflag:$0x4], $0x2000, s11, s15, $0x38;
	[tilespmem:$0xA400] =	vst v63  }
0x24: {  	_ =	swait.ge [sflag:s18], $0x2000  }
0x25: {  	s21 =	simm.s32 $0x1000;
	[sflag:s18] =	ssyncset.done $0x0  }
0x26: {  	s22 =	simm.s32 $0x280;
	s20 =	simm.s32 $0x180;
	[sflag:s18] =	ssyncadd.s32 $0xFFFFE000  }
.LBB2_2:
0x27: {  	[tilespmem:s13], [sflag:$0x2] =	stream.indirect.gather [hbm4b:s3+s11], $0x40, s20, s11, $0xb8;
	[tilespmem:$0xA400] =	vst v63  }
0x28: {  	s23 =	smov.u32 s21;
	s20 =	smov.u32 s22  }
0x29: {  	p0 =	sne.s32 s21, $0x62000;
	s21 =	sadd.s32 $0x1000, s21;
	_ =	swait.ge [sflag:s14], $0x2000  }
0x2a: {  	[sflag:s14] =	ssyncset.done $0x0  }
0x2b: {  	s24 =	sadd.s32 s23, s9;
	[sflag:s14] =	ssyncadd.s32 $0xFFFFE000  }
0x2c: {  	[hbm4b:s24+s15] =	stream.strided.scatter [tilespmem:s12], [sflag:$0x3], $0x2000, s11, s15, $0x38;
	[tilespmem:$0xA400] =	vst v63  }
0x2d: {  	_ =	swait.ge [sflag:s16], $0x2000  }
0x2e: {  	[sflag:s16] =	ssyncset.done $0x0  }
0x2f: {  	s24 =	sadd.s32 $0xFFFFFF80, s22;
	[sflag:s16] =	ssyncadd.s32 $0xFFFFE000  }
0x30: {  	[tilespmem:s12], [sflag:$0x1] =	stream.indirect.gather [hbm4b:s3+s11], $0x40, s24, s11, $0xb8;
	[tilespmem:$0xA400] =	vst v63  }
0x31: {  	_ =	swait.ge [sflag:s17], $0x2000  }
0x32: {  	[sflag:s17] =	ssyncset.done $0x0  }
.Ltmp0:
0x33: {  	s23 =	sadd.s32 s23, s8;
	[sflag:s17] =	ssyncadd.s32 $0xFFFFE000;
	(pc) =	sbr.rel @p0 .LBB2_2-.Ltmp0, $4  }
0x34: {  	[hbm4b:s23+s15] =	stream.strided.scatter [tilespmem:s13], [sflag:$0x4], $0x2000, s11, s15, $0x38;
	[tilespmem:$0xA400] =	vst v63  }
0x35: {  	_ =	swait.ge [sflag:s18], $0x2000  }
0x36: {  	[sflag:s18] =	ssyncset.done $0x0  }
0x37: {  	s22 =	sadd.s32 $0x100, s22;
	[sflag:s18] =	ssyncadd.s32 $0xFFFFE000  }
0x38: {  	[tilespmem:s13], [sflag:$0x2] =	stream.indirect.gather [hbm4b:s3+s11], $0x40, s20, s11, $0xb8;
	[tilespmem:$0xA400] =	vst v63  }
0x39: {  	_ =	swait.ge [sflag:s14], $0x2000  }
0x3a: {  	[sflag:s14] =	ssyncset.done $0x0  }
0x3b: {  	[sflag:s14] =	ssyncadd.s32 $0xFFFFE000  }
0x3c: {  	[hbm4b:s6+s15] =	stream.strided.scatter [tilespmem:s12], [sflag:$0x3], $0x2000, s11, s15, $0x38;
	[tilespmem:$0xA400] =	vst v63  }
0x3d: {  	_ =	swait.ge [sflag:s17], $0x2000  }
0x3e: {  	[sflag:s17] =	ssyncset.done $0x0  }
0x3f: {  	s19 =	sadd.s32 $0x1, s19;
	[sflag:s17] =	ssyncadd.s32 $0xFFFFE000  }
0x40: {  	[hbm4b:s7+s15] =	stream.strided.scatter [tilespmem:s13], [sflag:$0x4], $0x2000, s11, s15, $0x38;
	[tilespmem:$0xA400] =	vst v63  }
0x41: {  	p0 =	sne.s32 s19, s5;
	_ =	swait.ge [sflag:s16], $0x2000  }
.Ltmp1:
0x42: {  	[sflag:s16] =	ssyncset.done $0x0;
	(pc) =	sbr.rel @p0 .LBB2_1-.Ltmp1, $4  }
0x43: {  	[sflag:s16] =	ssyncadd.s32 $0xFFFFE000  }
0x44: {  	_ =	swait.ge [sflag:s18], $0x2000  }
0x45: {  	[sflag:s18] =	ssyncset.done $0x0  }
0x46: {  	[sflag:s18] =	ssyncadd.s32 $0xFFFFE000  }
0x47: {  	_ =	sfence.sel $0x180000  }
0x48: {  	[bflag:$0x0] =	sbarrier.arrive $0xFFFF  }
0x49: {  	p0 =	sne.s32 s0, $0x0;
	_ =	strace $0x9000004A  }
0x4a: {  	s0 =	sadd.s32 @!p0 $0x100000, s1;
	[bflag:$0x2] =	sbarrier.arrive $0xFFFF  }
0x4b: {  	[sflag:s0] =	ssyncadd.tile.s32 @!p0 $0x1;
	_ =	shalt  }
.Lfunc_end2:
_tile_overlayer_lowered:
.L_overlay_start_2:
0x4c: {  	(tag) =	ssettag $0x2  }
0x4d: {  	s0 =	rddreg [dreg:$0x0];
	s2 =	stileid.u32  }
0x4e: {  	s1 =	rddreg [dreg:$0x1];
	p0 =	sne.s32 s2, $0x0  }
0x4f: {  	s3 =	rddreg [dreg:$0x2];
	[bflag:$0x3] =	sbarrier.arrive $0xFFFF;
	s2 =	simm.s32 @!p0 $0x1C05  }
0x50: {  	[timem:s3], [sflag:s2] =	dma.local @!p0 [hbm:s0], s1  }
0x51: {  	s0 =	simm.s32 @!p0 $0x5  }
0x52: {  	_ =	swait.ge @!p0 [sflag:s0], s1  }
0x53: {  	s1 =	ssub.s32 @!p0 $0x0, s1;
	[sflag:s0] =	ssyncset.done @!p0 $0x0  }
0x54: {  	[sflag:s0] =	ssyncadd.s32 @!p0 s1  }
0x55: {  	[bflag:$0x3] =	sbarrier.arrive $0xFFFF  }
0x56: {  	_ =	shalt  }

</sc_bundles>
